<compile_context>
chip_gen: v7x
topology: tpu7x:2x2x1
jax: 0.10.2.dev20260603
libtpu: 0.0.44.dev20260713+nightly
codegen_flags: <defaults>
</compile_context>

<pallas_src>
import functools

import jax
import jax.numpy as jnp
from jax import lax
from jax.experimental import pallas as pl
from jax.experimental.pallas import tpu as pltpu
from jax.experimental.pallas import tpu_sc as plsc

N = 10000
E = 320000
D = 128
NW = 32
N_PAD = 10240
CHUNK = 128
N_CHUNKS = 2560
CA = 128
CB = 32
S = 32
E_PAD = N_CHUNKS * CHUNK
E_PER_TILE = E_PAD // NW
ROWS_PER_SUB = N_PAD // 16
R_BLK = 1024
GRID = N_PAD // R_BLK

_mesh = plsc.VectorSubcoreMesh(core_axis_name="c", subcore_axis_name="s")



@functools.partial(
    pl.kernel,
    out_type=jax.ShapeDtypeStruct((NW, N_PAD), jnp.float32),
    mesh=_mesh,
    compiler_params=pltpu.CompilerParams(needs_layout_passes=False),
    scratch_types=[
        pltpu.VMEM((E_PER_TILE,), jnp.int32),
        pltpu.VMEM((N_PAD,), jnp.float32),
    ],
)
def _deg_kernel(dst_hbm, degp_hbm, dst_v, deg_v):
    cid = lax.axis_index("c")
    sid = lax.axis_index("s")
    wid = sid * 2 + cid
    pltpu.sync_copy(dst_hbm.at[pl.ds(wid * E_PER_TILE, E_PER_TILE)], dst_v)
    zeros16 = jnp.zeros((16,), jnp.float32)
    ones16 = jnp.ones((16,), jnp.float32)

    def zbody(i, carry):
        deg_v[pl.ds(i * 16, 16)] = zeros16
        return carry

    lax.fori_loop(0, N_PAD // 16, zbody, 0)

    def abody(i, carry):
        idx = dst_v[pl.ds(i * 16, 16)]
        plsc.addupdate_scatter(deg_v, [idx], ones16)
        return carry

    lax.fori_loop(0, E_PER_TILE // 16, abody, 0)
    pltpu.sync_copy(deg_v, degp_hbm.at[wid])


@functools.partial(
    pl.kernel,
    out_type=jax.ShapeDtypeStruct((2, N_PAD, D), jnp.float32),
    mesh=_mesh,
    scratch_types=[
        pltpu.VMEM((S, CHUNK), jnp.int32),
        pltpu.VMEM((S, CHUNK), jnp.int32),
        pltpu.VMEM((CHUNK, D), jnp.float32),
        pltpu.VMEM((CHUNK, D), jnp.float32),
        pltpu.VMEM_SHARED((N_PAD, D), jnp.float32),
        pltpu.SemaphoreType.DMA,
        pltpu.SemaphoreType.DMA,
        pltpu.SemaphoreType.DMA,
        pltpu.SemaphoreType.DMA,
    ],
)
def _scatter_kernel(h_hbm, src_hbm, dst_hbm, acc_hbm, src_v, dst_v, buf, buf1,
                    acc_sh, g0, g1, s0, s1):
    cid = lax.axis_index("c")
    sid = lax.axis_index("s")

    zeros16 = jnp.zeros((16,), jnp.float32)

    def zbody(i, carry):
        for j in range(D // 16):
            buf[i, pl.ds(j * 16, 16)] = zeros16
        return carry

    lax.fori_loop(0, CHUNK, zbody, 0)
    for k in range(ROWS_PER_SUB // CHUNK):
        pltpu.async_copy(
            buf, acc_sh.at[pl.ds(sid * ROWS_PER_SUB + k * CHUNK, CHUNK)], s0)
    for k in range(ROWS_PER_SUB // CHUNK):
        pltpu.make_async_copy(
            buf, acc_sh.at[pl.ds(sid * ROWS_PER_SUB + k * CHUNK, CHUNK)],
            s0).wait()
    plsc.subcore_barrier()

    n_stages = jnp.where(cid == 0, CA // S, CB // S)
    base_chunk = jnp.where(cid == 0, sid * CA, 16 * CA + sid * CB)

    def stage_body(st, carry):
        chunk0 = base_chunk + st * S
        pltpu.sync_copy(src_hbm.at[pl.ds(chunk0, S)], src_v)
        pltpu.sync_copy(dst_hbm.at[pl.ds(chunk0, S)], dst_v)
        pltpu.async_copy(h_hbm.at[src_v.at[0]], buf, g0)

        def body(t, carry2):
            c0 = 2 * t
            c1 = 2 * t + 1
            pltpu.make_async_copy(h_hbm.at[src_v.at[c0]], buf, g0).wait()
            pltpu.async_copy(h_hbm.at[src_v.at[c1]], buf1, g1)
            pltpu.async_copy(buf, acc_sh.at[dst_v.at[c0]], s0, add=True)
            pltpu.make_async_copy(h_hbm.at[src_v.at[c1]], buf1, g1).wait()
            pltpu.make_async_copy(buf, acc_sh.at[dst_v.at[c0]], s0).wait()

            @pl.when(t < S // 2 - 1)
            def _():
                pltpu.async_copy(h_hbm.at[src_v.at[c0 + 2]], buf, g0)

            pltpu.async_copy(buf1, acc_sh.at[dst_v.at[c1]], s1, add=True)
            pltpu.make_async_copy(buf1, acc_sh.at[dst_v.at[c1]], s1).wait()
            return carry2

        lax.fori_loop(0, S // 2, body, 0)
        return carry

    lax.fori_loop(0, n_stages, stage_body, 0)
    plsc.subcore_barrier()
    pltpu.sync_copy(
        acc_sh.at[pl.ds(sid * ROWS_PER_SUB, ROWS_PER_SUB)],
        acc_hbm.at[cid, pl.ds(sid * ROWS_PER_SUB, ROWS_PER_SUB)],
    )



def _dinv_from_degp(degp_blk):
    deg = jnp.sum(degp_blk, axis=1, keepdims=True) + 1.0
    return lax.rsqrt(deg)


def _stage1_body(x_ref, w1_ref, degp_ref, hs_ref):
    dinv = _dinv_from_degp(degp_ref[...])
    h = jnp.dot(x_ref[...], w1_ref[...], preferred_element_type=jnp.float32)
    hs_ref[...] = h * dinv


def _stage2_body(acc_ref, hs_ref, degp_ref, b1_ref, w2_ref, out_ref):
    dinv = _dinv_from_degp(degp_ref[...])
    pre = dinv * (acc_ref[0] + acc_ref[1] + hs_ref[...]) + b1_ref[...]
    z = jnp.maximum(pre, 0.0)
    h2 = jnp.dot(z, w2_ref[...], preferred_element_type=jnp.float32)
    out_ref[...] = h2 * dinv


def _stage3_body(acc_ref, hs_ref, degp_ref, b2_ref, out_ref):
    dinv = _dinv_from_degp(degp_ref[...])
    out_ref[...] = dinv * (acc_ref[0] + acc_ref[1] + hs_ref[...]) + b2_ref[...]


_row_spec = pl.BlockSpec((R_BLK, D), lambda i: (i, 0))
_acc_spec = pl.BlockSpec((2, R_BLK, D), lambda i: (0, i, 0))
_degp_spec = pl.BlockSpec((R_BLK, NW), lambda i: (i, 0))
_w_spec = pl.BlockSpec((D, D), lambda i: (0, 0))
_b_spec = pl.BlockSpec((1, D), lambda i: (0, 0))

_stage1 = pl.pallas_call(
    _stage1_body,
    grid=(GRID,),
    in_specs=[_row_spec, _w_spec, _degp_spec],
    out_specs=_row_spec,
    out_shape=jax.ShapeDtypeStruct((N_PAD, D), jnp.float32),
)

_stage2 = pl.pallas_call(
    _stage2_body,
    grid=(GRID,),
    in_specs=[_acc_spec, _row_spec, _degp_spec, _b_spec, _w_spec],
    out_specs=_row_spec,
    out_shape=jax.ShapeDtypeStruct((N_PAD, D), jnp.float32),
)

_stage3 = pl.pallas_call(
    _stage3_body,
    grid=(GRID,),
    in_specs=[_acc_spec, _row_spec, _degp_spec, _b_spec],
    out_specs=_row_spec,
    out_shape=jax.ShapeDtypeStruct((N_PAD, D), jnp.float32),
)



@jax.jit
def kernel(x, edge_index, W1, b1, W2, b2):
    pad = E_PAD - E
    src = jnp.concatenate([edge_index[0], jnp.full((pad,), N, jnp.int32)])
    dst = jnp.concatenate([edge_index[1], jnp.full((pad,), N, jnp.int32)])
    src_t = src.reshape(N_CHUNKS, CHUNK)
    dst_t = dst.reshape(N_CHUNKS, CHUNK)
    x_pad = jnp.zeros((N_PAD, D), jnp.float32).at[:N].set(x)
    b1r = b1.reshape(1, D)
    b2r = b2.reshape(1, D)

    degp = _deg_kernel(dst)
    degp_t = degp.T

    h1s = _stage1(x_pad, W1, degp_t)
    acc1 = _scatter_kernel(h1s, src_t, dst_t)
    h2s = _stage2(acc1, h1s, degp_t, b1r, W2)
    acc2 = _scatter_kernel(h2s, src_t, dst_t)
    out = _stage3(acc2, h2s, degp_t, b2r)
    return out[:N]

# --- scband reference (transcript-rebuilt; emitter-appended) ---
"""Pipeline reference for scband-baseline-gcn-24592982737326 (READ-ONLY COPY).

The authoritative reference and input builder live on the scoring server;
editing this copy changes nothing except your own understanding.
"""

import jax, jax.numpy as jnp
import numpy as np


def gcn_conv(x, edge_index, W, b):
    # PyG-style GCNConv: add self loops, symmetric normalization, gather-matmul-scatter
    N = x.shape[0]
    loop = jnp.arange(N, dtype=edge_index.dtype)
    src = jnp.concatenate([edge_index[0], loop])
    dst = jnp.concatenate([edge_index[1], loop])
    deg = jnp.zeros((N,), x.dtype).at[dst].add(1.0)
    deg_inv_sqrt = jnp.where(deg > 0, 1.0 / jnp.sqrt(deg), 0.0)
    norm = deg_inv_sqrt[src] * deg_inv_sqrt[dst]
    h = x @ W
    msg = h[src] * norm[:, None]
    out = jnp.zeros((N, W.shape[1]), x.dtype).at[dst].add(msg)
    return out + b


def setup_inputs(seed: int = 0) -> dict:
    key = jax.random.key(seed)
    k1, k2, k3, k4, k5, k6 = jax.random.split(key, 6)
    N, E, D_in, D_h, D_out = 10000, 320000, 128, 128, 128
    x = jax.random.normal(k1, (N, D_in), dtype=jnp.float32)
    edge_index = jax.random.randint(k2, (2, E), 0, N, dtype=jnp.int32)
    W1 = jax.random.normal(k3, (D_in, D_h), dtype=jnp.float32) * (1.0 / np.sqrt(D_in))
    b1 = jnp.zeros((D_h,), dtype=jnp.float32)
    W2 = jax.random.normal(k4, (D_h, D_out), dtype=jnp.float32) * (1.0 / np.sqrt(D_h))
    b2 = jnp.zeros((D_out,), dtype=jnp.float32)
    return {"x": x, "edge_index": edge_index, "W1": W1, "b1": b1, "W2": W2, "b2": b2}


def reference(x, edge_index, W1, b1, W2, b2):
    # BaselineGCN with num_layers=2: conv1 -> relu -> conv2
    h = gcn_conv(x, edge_index, W1, b1)
    h = jax.nn.relu(h)
    out = gcn_conv(h, edge_index, W2, b2)
    return out

if __name__ == "__main__":
    import jax
    _d = setup_inputs()
    print(jax.jit(kernel)(*tuple(_d.values())))

</pallas_src>

<mosaic_0001>
#map = affine_map<(d0, d1) -> (0)>
#map1 = affine_map<(d0, d1) -> (0, 0)>
module attributes {stable_mosaic.version = 14 : i64} {
  func.func @_deg_kernel(%arg0: i32, %arg1: i32, %arg2: memref<327680xi32, #tpu.memory_space<hbm>>, %arg3: memref<32x10240xf32, #tpu.memory_space<hbm>>, %arg4: memref<10240xi32, #tpu.memory_space<vmem>>, %arg5: memref<10240xf32, #tpu.memory_space<vmem>>) attributes {dimension_semantics = [#tpu.dimension_semantics<core_parallel>, #tpu.dimension_semantics<subcore_parallel>], iteration_bounds = array<i64: 2, 16>, scalar_prefetch = 0 : i64, scratch_operands = 2 : i64, tpu.core_type = #tpu.core_type<sc_vector_subcore>, window_params = [{transform_indices = #map}, {transform_indices = #map1}]} {
    %mul3A = arith.constant 2 : i32
    %mul3A_0 = arith.muli %arg1, %mul3A : i32
    %add3A = arith.addi %mul3A_0, %arg0 : i32
    %mul3A_1 = arith.constant 10240 : i32
    %mul3A_2 = arith.muli %add3A, %mul3A_1 : i32
    "tpu.region"() ({
      %run_scoped3A = tpu.sem_alloc : memref<!tpu.dma_semaphore, #tpu.memory_space<semaphore_mem>>
      %dma_start3A = tpu.memref_slice %arg2[%mul3A_2] : memref<327680xi32, #tpu.memory_space<hbm>> -> memref<10240xi32, #tpu.memory_space<hbm>>
      %dma_start3A_17 = tpu.memref_slice %arg2[%mul3A_2] : memref<327680xi32, #tpu.memory_space<hbm>> -> memref<10240xi32, #tpu.memory_space<hbm>>
      tpu.enqueue_dma source(%dma_start3A_17 : memref<10240xi32, #tpu.memory_space<hbm>>) target(%arg4 : memref<10240xi32, #tpu.memory_space<vmem>>) target_semaphore(%run_scoped3A : memref<!tpu.dma_semaphore, #tpu.memory_space<semaphore_mem>>)
      %dma_wait3A = tpu.memref_slice %arg2[%mul3A_2] : memref<327680xi32, #tpu.memory_space<hbm>> -> memref<10240xi32, #tpu.memory_space<hbm>>
      %dma_wait3A_18 = tpu.memref_slice %arg2[%mul3A_2] : memref<327680xi32, #tpu.memory_space<hbm>> -> memref<10240xi32, #tpu.memory_space<hbm>>
      tpu.wait_dma2 semaphore(%run_scoped3A : memref<!tpu.dma_semaphore, #tpu.memory_space<semaphore_mem>>) src(%dma_wait3A_18 : memref<10240xi32, #tpu.memory_space<hbm>>) dst(%arg4 : memref<10240xi32, #tpu.memory_space<vmem>>)
      tpu.yield
    }) : () -> ()
    %broadcast_in_dim3A = arith.constant 0.000000e+00 : f32
    %broadcast_in_dim3A_3 = vector.broadcast %broadcast_in_dim3A : f32 to vector<16xf32>
    %broadcast_in_dim3A_4 = arith.constant 1.000000e+00 : f32
    %broadcast_in_dim3A_5 = vector.broadcast %broadcast_in_dim3A_4 : f32 to vector<16xf32>
    %scan3A = arith.constant 0 : i32
    %scan3A_6 = arith.constant 0 : i32
    %scan3A_7 = arith.constant 640 : i32
    %scan3A_8 = arith.addi %scan3A_6, %scan3A_7 : i32
    %scan3A_9 = arith.constant 1 : i32
    scf.for %scan3A_17 = %scan3A_6 to %scan3A_8 step %scan3A_9  : i32 {
      %mul3A_18 = arith.constant 16 : i32
      %mul3A_19 = arith.muli %scan3A_17, %mul3A_18 : i32
      %swap3A = arith.index_cast %mul3A_19 : i32 to index
      %swap3A_20 = tpu.vector_load %arg5[%swap3A] {strides = array<i32>} : memref<10240xf32, #tpu.memory_space<vmem>>, vector<16xf32>,
      tpu.vector_store %arg5[%swap3A], %broadcast_in_dim3A_3 {strides = array<i32>} : memref<10240xf32, #tpu.memory_space<vmem>>, vector<16xf32>,
    }
    %scan3A_10 = arith.constant 640 : i32
    %scan3A_11 = arith.constant 0 : i32
    %scan3A_12 = arith.constant 0 : i32
    %scan3A_13 = arith.constant 640 : i32
    %scan3A_14 = arith.addi %scan3A_12, %scan3A_13 : i32
    %scan3A_15 = arith.constant 1 : i32
    scf.for %scan3A_17 = %scan3A_12 to %scan3A_14 step %scan3A_15  : i32 {
      %mul3A_18 = arith.constant 16 : i32
      %mul3A_19 = arith.muli %scan3A_17, %mul3A_18 : i32
      %get3A = arith.index_cast %mul3A_19 : i32 to index
      %get3A_20 = tpu.vector_load %arg4[%get3A] {strides = array<i32>} : memref<10240xi32, #tpu.memory_space<vmem>>, vector<16xi32>,
      tpu.vector_store_idx %arg5[%get3A_20], %broadcast_in_dim3A_5 {add = true} : memref<10240xf32, #tpu.memory_space<vmem>>[vector<16xi32>], vector<16xf32>,
    }
    %scan3A_16 = arith.constant 640 : i32
    "tpu.region"() ({
      %run_scoped3A = tpu.sem_alloc : memref<!tpu.dma_semaphore, #tpu.memory_space<semaphore_mem>>
      %dma_start3A = arith.constant 0 : i32
      %dma_start3A_17 = tpu.memref_slice %arg3[%add3A, %dma_start3A] : memref<32x10240xf32, #tpu.memory_space<hbm>> -> memref<1x10240xf32, #tpu.memory_space<hbm>>
      %dma_start3A_18 = tpu.memref_squeeze %dma_start3A_17 : memref<1x10240xf32, #tpu.memory_space<hbm>> -> memref<10240xf32, #tpu.memory_space<hbm>>
      %dma_start3A_19 = arith.constant 0 : i32
      %dma_start3A_20 = tpu.memref_slice %arg3[%add3A, %dma_start3A_19] : memref<32x10240xf32, #tpu.memory_space<hbm>> -> memref<1x10240xf32, #tpu.memory_space<hbm>>
      %dma_start3A_21 = tpu.memref_squeeze %dma_start3A_20 : memref<1x10240xf32, #tpu.memory_space<hbm>> -> memref<10240xf32, #tpu.memory_space<hbm>>
      tpu.enqueue_dma source(%arg5 : memref<10240xf32, #tpu.memory_space<vmem>>) target(%dma_start3A_21 : memref<10240xf32, #tpu.memory_space<hbm>>) target_semaphore(%run_scoped3A : memref<!tpu.dma_semaphore, #tpu.memory_space<semaphore_mem>>)
      %dma_wait3A = arith.constant 0 : i32
      %dma_wait3A_22 = tpu.memref_slice %arg3[%add3A, %dma_wait3A] : memref<32x10240xf32, #tpu.memory_space<hbm>> -> memref<1x10240xf32, #tpu.memory_space<hbm>>
      %dma_wait3A_23 = tpu.memref_squeeze %dma_wait3A_22 : memref<1x10240xf32, #tpu.memory_space<hbm>> -> memref<10240xf32, #tpu.memory_space<hbm>>
      %dma_wait3A_24 = arith.constant 0 : i32
      %dma_wait3A_25 = tpu.memref_slice %arg3[%add3A, %dma_wait3A_24] : memref<32x10240xf32, #tpu.memory_space<hbm>> -> memref<1x10240xf32, #tpu.memory_space<hbm>>
      %dma_wait3A_26 = tpu.memref_squeeze %dma_wait3A_25 : memref<1x10240xf32, #tpu.memory_space<hbm>> -> memref<10240xf32, #tpu.memory_space<hbm>>
      tpu.wait_dma2 semaphore(%run_scoped3A : memref<!tpu.dma_semaphore, #tpu.memory_space<semaphore_mem>>) src(%arg5 : memref<10240xf32, #tpu.memory_space<vmem>>) dst(%dma_wait3A_26 : memref<10240xf32, #tpu.memory_space<hbm>>)
      tpu.yield
    }) : () -> ()
    return
  }
}

#map = affine_map<(d0, d1) -> (0, 0)>
#map1 = affine_map<(d0, d1) -> (0, 0, 0)>
module attributes {stable_mosaic.version = 14 : i64} {
  func.func @_scatter_kernel(%arg0: i32, %arg1: i32, %arg2: memref<10240x128xf32, #tpu.memory_space<hbm>>, %arg3: memref<2560x128xi32, #tpu.memory_space<hbm>>, %arg4: memref<2560x128xi32, #tpu.memory_space<hbm>>, %arg5: memref<2x10240x128xf32, #tpu.memory_space<hbm>>, %arg6: memref<32x128xi32, #tpu.memory_space<vmem>>, %arg7: memref<32x128xi32, #tpu.memory_space<vmem>>, %arg8: memref<128x128xf32, #tpu.memory_space<vmem>>, %arg9: memref<128x128xf32, #tpu.memory_space<vmem>>, %arg10: memref<10240x128xf32, #tpu.memory_space<vmem_shared>>, %arg11: memref<!tpu.dma_semaphore, #tpu.memory_space<semaphore_mem>>, %arg12: memref<!tpu.dma_semaphore, #tpu.memory_space<semaphore_mem>>, %arg13: memref<!tpu.dma_semaphore, #tpu.memory_space<semaphore_mem>>, %arg14: memref<!tpu.dma_semaphore, #tpu.memory_space<semaphore_mem>>) attributes {dimension_semantics = [#tpu.dimension_semantics<core_parallel>, #tpu.dimension_semantics<subcore_parallel>], iteration_bounds = array<i64: 2, 16>, scalar_prefetch = 0 : i64, scratch_operands = 9 : i64, tpu.core_type = #tpu.core_type<sc_vector_subcore>, window_params = [{transform_indices = #map}, {transform_indices = #map}, {transform_indices = #map}, {transform_indices = #map1}]} {
    %broadcast_in_dim3A = arith.constant 0.000000e+00 : f32
    %broadcast_in_dim3A_0 = vector.broadcast %broadcast_in_dim3A : f32 to vector<16xf32>
    %scan3A = arith.constant 0 : i32
    %scan3A_1 = arith.constant 0 : i32
    %scan3A_2 = arith.constant 128 : i32
    %scan3A_3 = arith.addi %scan3A_1, %scan3A_2 : i32
    %scan3A_4 = arith.constant 1 : i32
    scf.for %scan3A_107 = %scan3A_1 to %scan3A_3 step %scan3A_4  : i32 {
      %swap3A = arith.index_cast %scan3A_107 : i32 to index
      %swap3A_108 = arith.constant 0 : index
      %swap3A_109 = tpu.vector_load %arg8[%swap3A, %swap3A_108] {strides = array<i32>} : memref<128x128xf32, #tpu.memory_space<vmem>>, vector<1x16xf32>,
      %swap3A_110 = vector.shape_cast %swap3A_109 : vector<1x16xf32> to vector<16xf32>
      %swap3A_111 = vector.shape_cast %broadcast_in_dim3A_0 : vector<16xf32> to vector<1x16xf32>
      tpu.vector_store %arg8[%swap3A, %swap3A_108], %swap3A_111 {strides = array<i32>} : memref<128x128xf32, #tpu.memory_space<vmem>>, vector<1x16xf32>,
      %swap3A_112 = arith.index_cast %scan3A_107 : i32 to index
      %swap3A_113 = arith.constant 16 : index
      %swap3A_114 = tpu.vector_load %arg8[%swap3A_112, %swap3A_113] {strides = array<i32>} : memref<128x128xf32, #tpu.memory_space<vmem>>, vector<1x16xf32>,
      %swap3A_115 = vector.shape_cast %swap3A_114 : vector<1x16xf32> to vector<16xf32>
      %swap3A_116 = vector.shape_cast %broadcast_in_dim3A_0 : vector<16xf32> to vector<1x16xf32>
      tpu.vector_store %arg8[%swap3A_112, %swap3A_113], %swap3A_116 {strides = array<i32>} : memref<128x128xf32, #tpu.memory_space<vmem>>, vector<1x16xf32>,
      %swap3A_117 = arith.index_cast %scan3A_107 : i32 to index
      %swap3A_118 = arith.constant 32 : index
      %swap3A_119 = tpu.vector_load %arg8[%swap3A_117, %swap3A_118] {strides = array<i32>} : memref<128x128xf32, #tpu.memory_space<vmem>>, vector<1x16xf32>,
      %swap3A_120 = vector.shape_cast %swap3A_119 : vector<1x16xf32> to vector<16xf32>
      %swap3A_121 = vector.shape_cast %broadcast_in_dim3A_0 : vector<16xf32> to vector<1x16xf32>
      tpu.vector_store %arg8[%swap3A_117, %swap3A_118], %swap3A_121 {strides = array<i32>} : memref<128x128xf32, #tpu.memory_space<vmem>>, vector<1x16xf32>,
      %swap3A_122 = arith.index_cast %scan3A_107 : i32 to index
      %swap3A_123 = arith.constant 48 : index
      %swap3A_124 = tpu.vector_load %arg8[%swap3A_122, %swap3A_123] {strides = array<i32>} : memref<128x128xf32, #tpu.memory_space<vmem>>, vector<1x16xf32>,
      %swap3A_125 = vector.shape_cast %swap3A_124 : vector<1x16xf32> to vector<16xf32>
      %swap3A_126 = vector.shape_cast %broadcast_in_dim3A_0 : vector<16xf32> to vector<1x16xf32>
      tpu.vector_store %arg8[%swap3A_122, %swap3A_123], %swap3A_126 {strides = array<i32>} : memref<128x128xf32, #tpu.memory_space<vmem>>, vector<1x16xf32>,
      %swap3A_127 = arith.index_cast %scan3A_107 : i32 to index
      %swap3A_128 = arith.constant 64 : index
      %swap3A_129 = tpu.vector_load %arg8[%swap3A_127, %swap3A_128] {strides = array<i32>} : memref<128x128xf32, #tpu.memory_space<vmem>>, vector<1x16xf32>,
      %swap3A_130 = vector.shape_cast %swap3A_129 : vector<1x16xf32> to vector<16xf32>
      %swap3A_131 = vector.shape_cast %broadcast_in_dim3A_0 : vector<16xf32> to vector<1x16xf32>
      tpu.vector_store %arg8[%swap3A_127, %swap3A_128], %swap3A_131 {strides = array<i32>} : memref<128x128xf32, #tpu.memory_space<vmem>>, vector<1x16xf32>,
      %swap3A_132 = arith.index_cast %scan3A_107 : i32 to index
      %swap3A_133 = arith.constant 80 : index
      %swap3A_134 = tpu.vector_load %arg8[%swap3A_132, %swap3A_133] {strides = array<i32>} : memref<128x128xf32, #tpu.memory_space<vmem>>, vector<1x16xf32>,
      %swap3A_135 = vector.shape_cast %swap3A_134 : vector<1x16xf32> to vector<16xf32>
      %swap3A_136 = vector.shape_cast %broadcast_in_dim3A_0 : vector<16xf32> to vector<1x16xf32>
      tpu.vector_store %arg8[%swap3A_132, %swap3A_133], %swap3A_136 {strides = array<i32>} : memref<128x128xf32, #tpu.memory_space<vmem>>, vector<1x16xf32>,
      %swap3A_137 = arith.index_cast %scan3A_107 : i32 to index
      %swap3A_138 = arith.constant 96 : index
      %swap3A_139 = tpu.vector_load %arg8[%swap3A_137, %swap3A_138] {strides = array<i32>} : memref<128x128xf32, #tpu.memory_space<vmem>>, vector<1x16xf32>,
      %swap3A_140 = vector.shape_cast %swap3A_139 : vector<1x16xf32> to vector<16xf32>
      %swap3A_141 = vector.shape_cast %broadcast_in_dim3A_0 : vector<16xf32> to vector<1x16xf32>
      tpu.vector_store %arg8[%swap3A_137, %swap3A_138], %swap3A_141 {strides = array<i32>} : memref<128x128xf32, #tpu.memory_space<vmem>>, vector<1x16xf32>,
      %swap3A_142 = arith.index_cast %scan3A_107 : i32 to index
      %swap3A_143 = arith.constant 112 : index
      %swap3A_144 = tpu.vector_load %arg8[%swap3A_142, %swap3A_143] {strides = array<i32>} : memref<128x128xf32, #tpu.memory_space<vmem>>, vector<1x16xf32>,
      %swap3A_145 = vector.shape_cast %swap3A_144 : vector<1x16xf32> to vector<16xf32>
      %swap3A_146 = vector.shape_cast %broadcast_in_dim3A_0 : vector<16xf32> to vector<1x16xf32>
      tpu.vector_store %arg8[%swap3A_142, %swap3A_143], %swap3A_146 {strides = array<i32>} : memref<128x128xf32, #tpu.memory_space<vmem>>, vector<1x16xf32>,
    }
    %scan3A_5 = arith.constant 128 : i32
    %mul3A = arith.constant 640 : i32
    %mul3A_6 = arith.muli %arg1, %mul3A : i32
    %add3A = arith.constant 0 : i32
    %add3A_7 = arith.addi %mul3A_6, %add3A : i32
    %dma_start3A = arith.constant 0 : i32
    %dma_start3A_8 = tpu.memref_slice %arg10[%add3A_7, %dma_start3A] : memref<10240x128xf32, #tpu.memory_space<vmem_shared>> -> memref<128x128xf32, #tpu.memory_space<vmem_shared>>
    %dma_start3A_9 = arith.constant 0 : i32
    %dma_start3A_10 = tpu.memref_slice %arg10[%add3A_7, %dma_start3A_9] : memref<10240x128xf32, #tpu.memory_space<vmem_shared>> -> memref<128x128xf32, #tpu.memory_space<vmem_shared>>
    tpu.enqueue_dma source(%arg8 : memref<128x128xf32, #tpu.memory_space<vmem>>) target(%dma_start3A_10 : memref<128x128xf32, #tpu.memory_space<vmem_shared>>) target_semaphore(%arg13 : memref<!tpu.dma_semaphore, #tpu.memory_space<semaphore_mem>>)
    %mul3A_11 = arith.constant 640 : i32
    %mul3A_12 = arith.muli %arg1, %mul3A_11 : i32
    %add3A_13 = arith.constant 128 : i32
    %add3A_14 = arith.addi %mul3A_12, %add3A_13 : i32
    %dma_start3A_15 = arith.constant 0 : i32
    %dma_start3A_16 = tpu.memref_slice %arg10[%add3A_14, %dma_start3A_15] : memref<10240x128xf32, #tpu.memory_space<vmem_shared>> -> memref<128x128xf32, #tpu.memory_space<vmem_shared>>
    %dma_start3A_17 = arith.constant 0 : i32
    %dma_start3A_18 = tpu.memref_slice %arg10[%add3A_14, %dma_start3A_17] : memref<10240x128xf32, #tpu.memory_space<vmem_shared>> -> memref<128x128xf32, #tpu.memory_space<vmem_shared>>
    tpu.enqueue_dma source(%arg8 : memref<128x128xf32, #tpu.memory_space<vmem>>) target(%dma_start3A_18 : memref<128x128xf32, #tpu.memory_space<vmem_shared>>) target_semaphore(%arg13 : memref<!tpu.dma_semaphore, #tpu.memory_space<semaphore_mem>>)
    %mul3A_19 = arith.constant 640 : i32
    %mul3A_20 = arith.muli %arg1, %mul3A_19 : i32
    %add3A_21 = arith.constant 256 : i32
    %add3A_22 = arith.addi %mul3A_20, %add3A_21 : i32
    %dma_start3A_23 = arith.constant 0 : i32
    %dma_start3A_24 = tpu.memref_slice %arg10[%add3A_22, %dma_start3A_23] : memref<10240x128xf32, #tpu.memory_space<vmem_shared>> -> memref<128x128xf32, #tpu.memory_space<vmem_shared>>
    %dma_start3A_25 = arith.constant 0 : i32
    %dma_start3A_26 = tpu.memref_slice %arg10[%add3A_22, %dma_start3A_25] : memref<10240x128xf32, #tpu.memory_space<vmem_shared>> -> memref<128x128xf32, #tpu.memory_space<vmem_shared>>
    tpu.enqueue_dma source(%arg8 : memref<128x128xf32, #tpu.memory_space<vmem>>) target(%dma_start3A_26 : memref<128x128xf32, #tpu.memory_space<vmem_shared>>) target_semaphore(%arg13 : memref<!tpu.dma_semaphore, #tpu.memory_space<semaphore_mem>>)
    %mul3A_27 = arith.constant 640 : i32
    %mul3A_28 = arith.muli %arg1, %mul3A_27 : i32
    %add3A_29 = arith.constant 384 : i32
    %add3A_30 = arith.addi %mul3A_28, %add3A_29 : i32
    %dma_start3A_31 = arith.constant 0 : i32
    %dma_start3A_32 = tpu.memref_slice %arg10[%add3A_30, %dma_start3A_31] : memref<10240x128xf32, #tpu.memory_space<vmem_shared>> -> memref<128x128xf32, #tpu.memory_space<vmem_shared>>
    %dma_start3A_33 = arith.constant 0 : i32
    %dma_start3A_34 = tpu.memref_slice %arg10[%add3A_30, %dma_start3A_33] : memref<10240x128xf32, #tpu.memory_space<vmem_shared>> -> memref<128x128xf32, #tpu.memory_space<vmem_shared>>
    tpu.enqueue_dma source(%arg8 : memref<128x128xf32, #tpu.memory_space<vmem>>) target(%dma_start3A_34 : memref<128x128xf32, #tpu.memory_space<vmem_shared>>) target_semaphore(%arg13 : memref<!tpu.dma_semaphore, #tpu.memory_space<semaphore_mem>>)
    %mul3A_35 = arith.constant 640 : i32
    %mul3A_36 = arith.muli %arg1, %mul3A_35 : i32
    %add3A_37 = arith.constant 512 : i32
    %add3A_38 = arith.addi %mul3A_36, %add3A_37 : i32
    %dma_start3A_39 = arith.constant 0 : i32
    %dma_start3A_40 = tpu.memref_slice %arg10[%add3A_38, %dma_start3A_39] : memref<10240x128xf32, #tpu.memory_space<vmem_shared>> -> memref<128x128xf32, #tpu.memory_space<vmem_shared>>
    %dma_start3A_41 = arith.constant 0 : i32
    %dma_start3A_42 = tpu.memref_slice %arg10[%add3A_38, %dma_start3A_41] : memref<10240x128xf32, #tpu.memory_space<vmem_shared>> -> memref<128x128xf32, #tpu.memory_space<vmem_shared>>
    tpu.enqueue_dma source(%arg8 : memref<128x128xf32, #tpu.memory_space<vmem>>) target(%dma_start3A_42 : memref<128x128xf32, #tpu.memory_space<vmem_shared>>) target_semaphore(%arg13 : memref<!tpu.dma_semaphore, #tpu.memory_space<semaphore_mem>>)
    %mul3A_43 = arith.constant 640 : i32
    %mul3A_44 = arith.muli %arg1, %mul3A_43 : i32
    %add3A_45 = arith.constant 0 : i32
    %add3A_46 = arith.addi %mul3A_44, %add3A_45 : i32
    %dma_wait3A = arith.constant 0 : i32
    %dma_wait3A_47 = tpu.memref_slice %arg10[%add3A_46, %dma_wait3A] : memref<10240x128xf32, #tpu.memory_space<vmem_shared>> -> memref<128x128xf32, #tpu.memory_space<vmem_shared>>
    %dma_wait3A_48 = arith.constant 0 : i32
    %dma_wait3A_49 = tpu.memref_slice %arg10[%add3A_46, %dma_wait3A_48] : memref<10240x128xf32, #tpu.memory_space<vmem_shared>> -> memref<128x128xf32, #tpu.memory_space<vmem_shared>>
    tpu.wait_dma2 semaphore(%arg13 : memref<!tpu.dma_semaphore, #tpu.memory_space<semaphore_mem>>) src(%arg8 : memref<128x128xf32, #tpu.memory_space<vmem>>) dst(%dma_wait3A_49 : memref<128x128xf32, #tpu.memory_space<vmem_shared>>)
    %mul3A_50 = arith.constant 640 : i32
    %mul3A_51 = arith.muli %arg1, %mul3A_50 : i32
    %add3A_52 = arith.constant 128 : i32
    %add3A_53 = arith.addi %mul3A_51, %add3A_52 : i32
    %dma_wait3A_54 = arith.constant 0 : i32
    %dma_wait3A_55 = tpu.memref_slice %arg10[%add3A_53, %dma_wait3A_54] : memref<10240x128xf32, #tpu.memory_space<vmem_shared>> -> memref<128x128xf32, #tpu.memory_space<vmem_shared>>
    %dma_wait3A_56 = arith.constant 0 : i32
    %dma_wait3A_57 = tpu.memref_slice %arg10[%add3A_53, %dma_wait3A_56] : memref<10240x128xf32, #tpu.memory_space<vmem_shared>> -> memref<128x128xf32, #tpu.memory_space<vmem_shared>>
    tpu.wait_dma2 semaphore(%arg13 : memref<!tpu.dma_semaphore, #tpu.memory_space<semaphore_mem>>) src(%arg8 : memref<128x128xf32, #tpu.memory_space<vmem>>) dst(%dma_wait3A_57 : memref<128x128xf32, #tpu.memory_space<vmem_shared>>)
    %mul3A_58 = arith.constant 640 : i32
    %mul3A_59 = arith.muli %arg1, %mul3A_58 : i32
    %add3A_60 = arith.constant 256 : i32
    %add3A_61 = arith.addi %mul3A_59, %add3A_60 : i32
    %dma_wait3A_62 = arith.constant 0 : i32
    %dma_wait3A_63 = tpu.memref_slice %arg10[%add3A_61, %dma_wait3A_62] : memref<10240x128xf32, #tpu.memory_space<vmem_shared>> -> memref<128x128xf32, #tpu.memory_space<vmem_shared>>
    %dma_wait3A_64 = arith.constant 0 : i32
    %dma_wait3A_65 = tpu.memref_slice %arg10[%add3A_61, %dma_wait3A_64] : memref<10240x128xf32, #tpu.memory_space<vmem_shared>> -> memref<128x128xf32, #tpu.memory_space<vmem_shared>>
    tpu.wait_dma2 semaphore(%arg13 : memref<!tpu.dma_semaphore, #tpu.memory_space<semaphore_mem>>) src(%arg8 : memref<128x128xf32, #tpu.memory_space<vmem>>) dst(%dma_wait3A_65 : memref<128x128xf32, #tpu.memory_space<vmem_shared>>)
    %mul3A_66 = arith.constant 640 : i32
    %mul3A_67 = arith.muli %arg1, %mul3A_66 : i32
    %add3A_68 = arith.constant 384 : i32
    %add3A_69 = arith.addi %mul3A_67, %add3A_68 : i32
    %dma_wait3A_70 = arith.constant 0 : i32
    %dma_wait3A_71 = tpu.memref_slice %arg10[%add3A_69, %dma_wait3A_70] : memref<10240x128xf32, #tpu.memory_space<vmem_shared>> -> memref<128x128xf32, #tpu.memory_space<vmem_shared>>
    %dma_wait3A_72 = arith.constant 0 : i32
    %dma_wait3A_73 = tpu.memref_slice %arg10[%add3A_69, %dma_wait3A_72] : memref<10240x128xf32, #tpu.memory_space<vmem_shared>> -> memref<128x128xf32, #tpu.memory_space<vmem_shared>>
    tpu.wait_dma2 semaphore(%arg13 : memref<!tpu.dma_semaphore, #tpu.memory_space<semaphore_mem>>) src(%arg8 : memref<128x128xf32, #tpu.memory_space<vmem>>) dst(%dma_wait3A_73 : memref<128x128xf32, #tpu.memory_space<vmem_shared>>)
    %mul3A_74 = arith.constant 640 : i32
    %mul3A_75 = arith.muli %arg1, %mul3A_74 : i32
    %add3A_76 = arith.constant 512 : i32
    %add3A_77 = arith.addi %mul3A_75, %add3A_76 : i32
    %dma_wait3A_78 = arith.constant 0 : i32
    %dma_wait3A_79 = tpu.memref_slice %arg10[%add3A_77, %dma_wait3A_78] : memref<10240x128xf32, #tpu.memory_space<vmem_shared>> -> memref<128x128xf32, #tpu.memory_space<vmem_shared>>
    %dma_wait3A_80 = arith.constant 0 : i32
    %dma_wait3A_81 = tpu.memref_slice %arg10[%add3A_77, %dma_wait3A_80] : memref<10240x128xf32, #tpu.memory_space<vmem_shared>> -> memref<128x128xf32, #tpu.memory_space<vmem_shared>>
    tpu.wait_dma2 semaphore(%arg13 : memref<!tpu.dma_semaphore, #tpu.memory_space<semaphore_mem>>) src(%arg8 : memref<128x128xf32, #tpu.memory_space<vmem>>) dst(%dma_wait3A_81 : memref<128x128xf32, #tpu.memory_space<vmem_shared>>)
    %barrier3A = arith.constant 0 : index
    tpu.barrier barrier_id(%barrier3A)
    %eq3A = arith.constant 0 : i32
    %eq3A_82 = arith.cmpi eq, %arg0, %eq3A : i32
    %jit3A = arith.constant 4 : i32
    %jit3A_83 = arith.constant 1 : i32
    %select_n3A = arith.select %eq3A_82, %jit3A, %jit3A_83 : i32
    %eq3A_84 = arith.constant 0 : i32
    %eq3A_85 = arith.cmpi eq, %arg0, %eq3A_84 : i32
    %mul3A_86 = arith.constant 128 : i32
    %mul3A_87 = arith.muli %arg1, %mul3A_86 : i32
    %mul3A_88 = arith.constant 32 : i32
    %mul3A_89 = arith.muli %arg1, %mul3A_88 : i32
    %add3A_90 = arith.constant 2048 : i32
    %add3A_91 = arith.addi %add3A_90, %mul3A_89 : i32
    %select_n3A_92 = arith.select %eq3A_85, %mul3A_87, %add3A_91 : i32
    %while3A = arith.constant 0 : i32
    %while3A_93 = arith.constant 0 : i32
    %while3A_94 = arith.subi %select_n3A, %while3A_93 : i32
    %while3A_95 = arith.addi %while3A_93, %while3A_94 : i32
    %while3A_96 = arith.constant 1 : i32
    %while3A_97 = arith.divsi %while3A_94, %while3A_96 : i32
    %while3A_98 = arith.muli %while3A_97, %while3A_96 : i32
    %while3A_99 = arith.addi %while3A_93, %while3A_98 : i32
    %while3A_100 = arith.constant 1 : i32
    scf.for %while3A_107 = %while3A_93 to %while3A_99 step %while3A_100  : i32 {
      %mul3A_108 = arith.constant 32 : i32
      %mul3A_109 = arith.muli %while3A_107, %mul3A_108 : i32
      %add3A_110 = arith.addi %select_n3A_92, %mul3A_109 : i32
      "tpu.region"() ({
        %run_scoped3A = tpu.sem_alloc : memref<!tpu.dma_semaphore, #tpu.memory_space<semaphore_mem>>
        %dma_start3A_124 = arith.constant 0 : i32
        %dma_start3A_125 = tpu.memref_slice %arg3[%add3A_110, %dma_start3A_124] : memref<2560x128xi32, #tpu.memory_space<hbm>> -> memref<32x128xi32, #tpu.memory_space<hbm>>
        %dma_start3A_126 = arith.constant 0 : i32
        %dma_start3A_127 = tpu.memref_slice %arg3[%add3A_110, %dma_start3A_126] : memref<2560x128xi32, #tpu.memory_space<hbm>> -> memref<32x128xi32, #tpu.memory_space<hbm>>
        tpu.enqueue_dma source(%dma_start3A_127 : memref<32x128xi32, #tpu.memory_space<hbm>>) target(%arg6 : memref<32x128xi32, #tpu.memory_space<vmem>>) target_semaphore(%run_scoped3A : memref<!tpu.dma_semaphore, #tpu.memory_space<semaphore_mem>>)
        %dma_wait3A_128 = arith.constant 0 : i32
        %dma_wait3A_129 = tpu.memref_slice %arg3[%add3A_110, %dma_wait3A_128] : memref<2560x128xi32, #tpu.memory_space<hbm>> -> memref<32x128xi32, #tpu.memory_space<hbm>>
        %dma_wait3A_130 = arith.constant 0 : i32
        %dma_wait3A_131 = tpu.memref_slice %arg3[%add3A_110, %dma_wait3A_130] : memref<2560x128xi32, #tpu.memory_space<hbm>> -> memref<32x128xi32, #tpu.memory_space<hbm>>
        tpu.wait_dma2 semaphore(%run_scoped3A : memref<!tpu.dma_semaphore, #tpu.memory_space<semaphore_mem>>) src(%dma_wait3A_131 : memref<32x128xi32, #tpu.memory_space<hbm>>) dst(%arg6 : memref<32x128xi32, #tpu.memory_space<vmem>>)
        tpu.yield
      }) : () -> ()
      "tpu.region"() ({
        %run_scoped3A = tpu.sem_alloc : memref<!tpu.dma_semaphore, #tpu.memory_space<semaphore_mem>>
        %dma_start3A_124 = arith.constant 0 : i32
        %dma_start3A_125 = tpu.memref_slice %arg4[%add3A_110, %dma_start3A_124] : memref<2560x128xi32, #tpu.memory_space<hbm>> -> memref<32x128xi32, #tpu.memory_space<hbm>>
        %dma_start3A_126 = arith.constant 0 : i32
        %dma_start3A_127 = tpu.memref_slice %arg4[%add3A_110, %dma_start3A_126] : memref<2560x128xi32, #tpu.memory_space<hbm>> -> memref<32x128xi32, #tpu.memory_space<hbm>>
        tpu.enqueue_dma source(%dma_start3A_127 : memref<32x128xi32, #tpu.memory_space<hbm>>) target(%arg7 : memref<32x128xi32, #tpu.memory_space<vmem>>) target_semaphore(%run_scoped3A : memref<!tpu.dma_semaphore, #tpu.memory_space<semaphore_mem>>)
        %dma_wait3A_128 = arith.constant 0 : i32
        %dma_wait3A_129 = tpu.memref_slice %arg4[%add3A_110, %dma_wait3A_128] : memref<2560x128xi32, #tpu.memory_space<hbm>> -> memref<32x128xi32, #tpu.memory_space<hbm>>
        %dma_wait3A_130 = arith.constant 0 : i32
        %dma_wait3A_131 = tpu.memref_slice %arg4[%add3A_110, %dma_wait3A_130] : memref<2560x128xi32, #tpu.memory_space<hbm>> -> memref<32x128xi32, #tpu.memory_space<hbm>>
        tpu.wait_dma2 semaphore(%run_scoped3A : memref<!tpu.dma_semaphore, #tpu.memory_space<semaphore_mem>>) src(%dma_wait3A_131 : memref<32x128xi32, #tpu.memory_space<hbm>>) dst(%arg7 : memref<32x128xi32, #tpu.memory_space<vmem>>)
        tpu.yield
      }) : () -> ()
      %dma_start3A_111 = arith.constant 0 : i32
      %dma_start3A_112 = arith.constant 0 : i32
      %dma_start3A_113 = tpu.memref_slice %arg6[%dma_start3A_111, %dma_start3A_112] : memref<32x128xi32, #tpu.memory_space<vmem>> -> memref<1x128xi32, #tpu.memory_space<vmem>>
      %dma_start3A_114 = tpu.memref_squeeze %dma_start3A_113 : memref<1x128xi32, #tpu.memory_space<vmem>> -> memref<128xi32, #tpu.memory_space<vmem>>
      %dma_start3A_115 = arith.constant 0 : i32
      %dma_start3A_116 = arith.constant 0 : i32
      %dma_start3A_117 = tpu.memref_slice %arg2[%dma_start3A_115, %dma_start3A_116] : memref<10240x128xf32, #tpu.memory_space<hbm>> -> memref<10240x128xf32, #tpu.memory_space<hbm>>
      tpu.enqueue_indirect_dma source(%dma_start3A_117 : memref<10240x128xf32, #tpu.memory_space<hbm>>) target(%arg8 : memref<128x128xf32, #tpu.memory_space<vmem>>) offsets(%dma_start3A_114 : memref<128xi32, #tpu.memory_space<vmem>>) semaphore(%arg11 : memref<!tpu.dma_semaphore, #tpu.memory_space<semaphore_mem>>)
      %scan3A_118 = arith.constant 0 : i32
      %scan3A_119 = arith.constant 0 : i32
      %scan3A_120 = arith.constant 16 : i32
      %scan3A_121 = arith.addi %scan3A_119, %scan3A_120 : i32
      %scan3A_122 = arith.constant 1 : i32
      scf.for %scan3A_124 = %scan3A_119 to %scan3A_121 step %scan3A_122  : i32 {
        %mul3A_125 = arith.constant 2 : i32
        %mul3A_126 = arith.muli %mul3A_125, %scan3A_124 : i32
        %mul3A_127 = arith.constant 2 : i32
        %mul3A_128 = arith.muli %mul3A_127, %scan3A_124 : i32
        %add3A_129 = arith.constant 1 : i32
        %add3A_130 = arith.addi %mul3A_128, %add3A_129 : i32
        %dma_wait3A_131 = arith.constant 0 : i32
        %dma_wait3A_132 = tpu.memref_slice %arg6[%mul3A_126, %dma_wait3A_131] : memref<32x128xi32, #tpu.memory_space<vmem>> -> memref<1x128xi32, #tpu.memory_space<vmem>>
        %dma_wait3A_133 = tpu.memref_squeeze %dma_wait3A_132 : memref<1x128xi32, #tpu.memory_space<vmem>> -> memref<128xi32, #tpu.memory_space<vmem>>
        %dma_wait3A_134 = arith.constant 0 : i32
        %dma_wait3A_135 = arith.constant 0 : i32
        %dma_wait3A_136 = tpu.memref_slice %arg2[%dma_wait3A_134, %dma_wait3A_135] : memref<10240x128xf32, #tpu.memory_space<hbm>> -> memref<10240x128xf32, #tpu.memory_space<hbm>>
        tpu.wait_indirect_dma semaphore(%arg11 : memref<!tpu.dma_semaphore, #tpu.memory_space<semaphore_mem>>) src(%dma_wait3A_136 : memref<10240x128xf32, #tpu.memory_space<hbm>>) dst(%arg8 : memref<128x128xf32, #tpu.memory_space<vmem>>)
        %dma_start3A_137 = arith.constant 0 : i32
        %dma_start3A_138 = tpu.memref_slice %arg6[%add3A_130, %dma_start3A_137] : memref<32x128xi32, #tpu.memory_space<vmem>> -> memref<1x128xi32, #tpu.memory_space<vmem>>
        %dma_start3A_139 = tpu.memref_squeeze %dma_start3A_138 : memref<1x128xi32, #tpu.memory_space<vmem>> -> memref<128xi32, #tpu.memory_space<vmem>>
        %dma_start3A_140 = arith.constant 0 : i32
        %dma_start3A_141 = arith.constant 0 : i32
        %dma_start3A_142 = tpu.memref_slice %arg2[%dma_start3A_140, %dma_start3A_141] : memref<10240x128xf32, #tpu.memory_space<hbm>> -> memref<10240x128xf32, #tpu.memory_space<hbm>>
        tpu.enqueue_indirect_dma source(%dma_start3A_142 : memref<10240x128xf32, #tpu.memory_space<hbm>>) target(%arg9 : memref<128x128xf32, #tpu.memory_space<vmem>>) offsets(%dma_start3A_139 : memref<128xi32, #tpu.memory_space<vmem>>) semaphore(%arg12 : memref<!tpu.dma_semaphore, #tpu.memory_space<semaphore_mem>>)
        %dma_start3A_143 = arith.constant 0 : i32
        %dma_start3A_144 = tpu.memref_slice %arg7[%mul3A_126, %dma_start3A_143] : memref<32x128xi32, #tpu.memory_space<vmem>> -> memref<1x128xi32, #tpu.memory_space<vmem>>
        %dma_start3A_145 = tpu.memref_squeeze %dma_start3A_144 : memref<1x128xi32, #tpu.memory_space<vmem>> -> memref<128xi32, #tpu.memory_space<vmem>>
        %dma_start3A_146 = arith.constant 0 : i32
        %dma_start3A_147 = arith.constant 0 : i32
        %dma_start3A_148 = tpu.memref_slice %arg10[%dma_start3A_146, %dma_start3A_147] : memref<10240x128xf32, #tpu.memory_space<vmem_shared>> -> memref<10240x128xf32, #tpu.memory_space<vmem_shared>>
        tpu.enqueue_indirect_dma source(%arg8 : memref<128x128xf32, #tpu.memory_space<vmem>>) target(%dma_start3A_148 : memref<10240x128xf32, #tpu.memory_space<vmem_shared>>) offsets(%dma_start3A_145 : memref<128xi32, #tpu.memory_space<vmem>>) semaphore(%arg13 : memref<!tpu.dma_semaphore, #tpu.memory_space<semaphore_mem>>) {add = true}
        %dma_wait3A_149 = arith.constant 0 : i32
        %dma_wait3A_150 = tpu.memref_slice %arg6[%add3A_130, %dma_wait3A_149] : memref<32x128xi32, #tpu.memory_space<vmem>> -> memref<1x128xi32, #tpu.memory_space<vmem>>
        %dma_wait3A_151 = tpu.memref_squeeze %dma_wait3A_150 : memref<1x128xi32, #tpu.memory_space<vmem>> -> memref<128xi32, #tpu.memory_space<vmem>>
        %dma_wait3A_152 = arith.constant 0 : i32
        %dma_wait3A_153 = arith.constant 0 : i32
        %dma_wait3A_154 = tpu.memref_slice %arg2[%dma_wait3A_152, %dma_wait3A_153] : memref<10240x128xf32, #tpu.memory_space<hbm>> -> memref<10240x128xf32, #tpu.memory_space<hbm>>
        tpu.wait_indirect_dma semaphore(%arg12 : memref<!tpu.dma_semaphore, #tpu.memory_space<semaphore_mem>>) src(%dma_wait3A_154 : memref<10240x128xf32, #tpu.memory_space<hbm>>) dst(%arg9 : memref<128x128xf32, #tpu.memory_space<vmem>>)
        %dma_wait3A_155 = arith.constant 0 : i32
        %dma_wait3A_156 = tpu.memref_slice %arg7[%mul3A_126, %dma_wait3A_155] : memref<32x128xi32, #tpu.memory_space<vmem>> -> memref<1x128xi32, #tpu.memory_space<vmem>>
        %dma_wait3A_157 = tpu.memref_squeeze %dma_wait3A_156 : memref<1x128xi32, #tpu.memory_space<vmem>> -> memref<128xi32, #tpu.memory_space<vmem>>
        %dma_wait3A_158 = arith.constant 0 : i32
        %dma_wait3A_159 = arith.constant 0 : i32
        %dma_wait3A_160 = tpu.memref_slice %arg10[%dma_wait3A_158, %dma_wait3A_159] : memref<10240x128xf32, #tpu.memory_space<vmem_shared>> -> memref<10240x128xf32, #tpu.memory_space<vmem_shared>>
        tpu.wait_indirect_dma semaphore(%arg13 : memref<!tpu.dma_semaphore, #tpu.memory_space<semaphore_mem>>) src(%arg8 : memref<128x128xf32, #tpu.memory_space<vmem>>) dst(%dma_wait3A_160 : memref<10240x128xf32, #tpu.memory_space<vmem_shared>>)
        %lt3A = arith.constant 15 : i32
        %lt3A_161 = arith.cmpi slt, %scan3A_124, %lt3A : i32
        %convert_element_type3A = arith.extui %lt3A_161 : i1 to i32
        %cond3A = arith.constant 0 : i32
        %cond3A_162 = arith.cmpi ne, %convert_element_type3A, %cond3A : i32
        scf.if %cond3A_162 {
          %add3A_175 = arith.constant 2 : i32
          %add3A_176 = arith.addi %mul3A_126, %add3A_175 : i32
          %dma_start3A_177 = arith.constant 0 : i32
          %dma_start3A_178 = tpu.memref_slice %arg6[%add3A_176, %dma_start3A_177] : memref<32x128xi32, #tpu.memory_space<vmem>> -> memref<1x128xi32, #tpu.memory_space<vmem>>
          %dma_start3A_179 = tpu.memref_squeeze %dma_start3A_178 : memref<1x128xi32, #tpu.memory_space<vmem>> -> memref<128xi32, #tpu.memory_space<vmem>>
          %dma_start3A_180 = arith.constant 0 : i32
          %dma_start3A_181 = arith.constant 0 : i32
          %dma_start3A_182 = tpu.memref_slice %arg2[%dma_start3A_180, %dma_start3A_181] : memref<10240x128xf32, #tpu.memory_space<hbm>> -> memref<10240x128xf32, #tpu.memory_space<hbm>>
          tpu.enqueue_indirect_dma source(%dma_start3A_182 : memref<10240x128xf32, #tpu.memory_space<hbm>>) target(%arg8 : memref<128x128xf32, #tpu.memory_space<vmem>>) offsets(%dma_start3A_179 : memref<128xi32, #tpu.memory_space<vmem>>) semaphore(%arg11 : memref<!tpu.dma_semaphore, #tpu.memory_space<semaphore_mem>>)
        } else {
        }
        %dma_start3A_163 = arith.constant 0 : i32
        %dma_start3A_164 = tpu.memref_slice %arg7[%add3A_130, %dma_start3A_163] : memref<32x128xi32, #tpu.memory_space<vmem>> -> memref<1x128xi32, #tpu.memory_space<vmem>>
        %dma_start3A_165 = tpu.memref_squeeze %dma_start3A_164 : memref<1x128xi32, #tpu.memory_space<vmem>> -> memref<128xi32, #tpu.memory_space<vmem>>
        %dma_start3A_166 = arith.constant 0 : i32
        %dma_start3A_167 = arith.constant 0 : i32
        %dma_start3A_168 = tpu.memref_slice %arg10[%dma_start3A_166, %dma_start3A_167] : memref<10240x128xf32, #tpu.memory_space<vmem_shared>> -> memref<10240x128xf32, #tpu.memory_space<vmem_shared>>
        tpu.enqueue_indirect_dma source(%arg9 : memref<128x128xf32, #tpu.memory_space<vmem>>) target(%dma_start3A_168 : memref<10240x128xf32, #tpu.memory_space<vmem_shared>>) offsets(%dma_start3A_165 : memref<128xi32, #tpu.memory_space<vmem>>) semaphore(%arg14 : memref<!tpu.dma_semaphore, #tpu.memory_space<semaphore_mem>>) {add = true}
        %dma_wait3A_169 = arith.constant 0 : i32
        %dma_wait3A_170 = tpu.memref_slice %arg7[%add3A_130, %dma_wait3A_169] : memref<32x128xi32, #tpu.memory_space<vmem>> -> memref<1x128xi32, #tpu.memory_space<vmem>>
        %dma_wait3A_171 = tpu.memref_squeeze %dma_wait3A_170 : memref<1x128xi32, #tpu.memory_space<vmem>> -> memref<128xi32, #tpu.memory_space<vmem>>
        %dma_wait3A_172 = arith.constant 0 : i32
        %dma_wait3A_173 = arith.constant 0 : i32
        %dma_wait3A_174 = tpu.memref_slice %arg10[%dma_wait3A_172, %dma_wait3A_173] : memref<10240x128xf32, #tpu.memory_space<vmem_shared>> -> memref<10240x128xf32, #tpu.memory_space<vmem_shared>>
        tpu.wait_indirect_dma semaphore(%arg14 : memref<!tpu.dma_semaphore, #tpu.memory_space<semaphore_mem>>) src(%arg9 : memref<128x128xf32, #tpu.memory_space<vmem>>) dst(%dma_wait3A_174 : memref<10240x128xf32, #tpu.memory_space<vmem_shared>>)
      }
      %scan3A_123 = arith.constant 16 : i32
    }
    %while3A_101 = arith.constant 1 : i32
    scf.for %while3A_107 = %while3A_99 to %while3A_95 step %while3A_101  : i32 {
      %mul3A_108 = arith.constant 32 : i32
      %mul3A_109 = arith.muli %while3A_107, %mul3A_108 : i32
      %add3A_110 = arith.addi %select_n3A_92, %mul3A_109 : i32
      "tpu.region"() ({
        %run_scoped3A = tpu.sem_alloc : memref<!tpu.dma_semaphore, #tpu.memory_space<semaphore_mem>>
        %dma_start3A_124 = arith.constant 0 : i32
        %dma_start3A_125 = tpu.memref_slice %arg3[%add3A_110, %dma_start3A_124] : memref<2560x128xi32, #tpu.memory_space<hbm>> -> memref<32x128xi32, #tpu.memory_space<hbm>>
        %dma_start3A_126 = arith.constant 0 : i32
        %dma_start3A_127 = tpu.memref_slice %arg3[%add3A_110, %dma_start3A_126] : memref<2560x128xi32, #tpu.memory_space<hbm>> -> memref<32x128xi32, #tpu.memory_space<hbm>>
        tpu.enqueue_dma source(%dma_start3A_127 : memref<32x128xi32, #tpu.memory_space<hbm>>) target(%arg6 : memref<32x128xi32, #tpu.memory_space<vmem>>) target_semaphore(%run_scoped3A : memref<!tpu.dma_semaphore, #tpu.memory_space<semaphore_mem>>)
        %dma_wait3A_128 = arith.constant 0 : i32
        %dma_wait3A_129 = tpu.memref_slice %arg3[%add3A_110, %dma_wait3A_128] : memref<2560x128xi32, #tpu.memory_space<hbm>> -> memref<32x128xi32, #tpu.memory_space<hbm>>
        %dma_wait3A_130 = arith.constant 0 : i32
        %dma_wait3A_131 = tpu.memref_slice %arg3[%add3A_110, %dma_wait3A_130] : memref<2560x128xi32, #tpu.memory_space<hbm>> -> memref<32x128xi32, #tpu.memory_space<hbm>>
        tpu.wait_dma2 semaphore(%run_scoped3A : memref<!tpu.dma_semaphore, #tpu.memory_space<semaphore_mem>>) src(%dma_wait3A_131 : memref<32x128xi32, #tpu.memory_space<hbm>>) dst(%arg6 : memref<32x128xi32, #tpu.memory_space<vmem>>)
        tpu.yield
      }) : () -> ()
      "tpu.region"() ({
        %run_scoped3A = tpu.sem_alloc : memref<!tpu.dma_semaphore, #tpu.memory_space<semaphore_mem>>
        %dma_start3A_124 = arith.constant 0 : i32
        %dma_start3A_125 = tpu.memref_slice %arg4[%add3A_110, %dma_start3A_124] : memref<2560x128xi32, #tpu.memory_space<hbm>> -> memref<32x128xi32, #tpu.memory_space<hbm>>
        %dma_start3A_126 = arith.constant 0 : i32
        %dma_start3A_127 = tpu.memref_slice %arg4[%add3A_110, %dma_start3A_126] : memref<2560x128xi32, #tpu.memory_space<hbm>> -> memref<32x128xi32, #tpu.memory_space<hbm>>
        tpu.enqueue_dma source(%dma_start3A_127 : memref<32x128xi32, #tpu.memory_space<hbm>>) target(%arg7 : memref<32x128xi32, #tpu.memory_space<vmem>>) target_semaphore(%run_scoped3A : memref<!tpu.dma_semaphore, #tpu.memory_space<semaphore_mem>>)
        %dma_wait3A_128 = arith.constant 0 : i32
        %dma_wait3A_129 = tpu.memref_slice %arg4[%add3A_110, %dma_wait3A_128] : memref<2560x128xi32, #tpu.memory_space<hbm>> -> memref<32x128xi32, #tpu.memory_space<hbm>>
        %dma_wait3A_130 = arith.constant 0 : i32
        %dma_wait3A_131 = tpu.memref_slice %arg4[%add3A_110, %dma_wait3A_130] : memref<2560x128xi32, #tpu.memory_space<hbm>> -> memref<32x128xi32, #tpu.memory_space<hbm>>
        tpu.wait_dma2 semaphore(%run_scoped3A : memref<!tpu.dma_semaphore, #tpu.memory_space<semaphore_mem>>) src(%dma_wait3A_131 : memref<32x128xi32, #tpu.memory_space<hbm>>) dst(%arg7 : memref<32x128xi32, #tpu.memory_space<vmem>>)
        tpu.yield
      }) : () -> ()
      %dma_start3A_111 = arith.constant 0 : i32
      %dma_start3A_112 = arith.constant 0 : i32
      %dma_start3A_113 = tpu.memref_slice %arg6[%dma_start3A_111, %dma_start3A_112] : memref<32x128xi32, #tpu.memory_space<vmem>> -> memref<1x128xi32, #tpu.memory_space<vmem>>
      %dma_start3A_114 = tpu.memref_squeeze %dma_start3A_113 : memref<1x128xi32, #tpu.memory_space<vmem>> -> memref<128xi32, #tpu.memory_space<vmem>>
      %dma_start3A_115 = arith.constant 0 : i32
      %dma_start3A_116 = arith.constant 0 : i32
      %dma_start3A_117 = tpu.memref_slice %arg2[%dma_start3A_115, %dma_start3A_116] : memref<10240x128xf32, #tpu.memory_space<hbm>> -> memref<10240x128xf32, #tpu.memory_space<hbm>>
      tpu.enqueue_indirect_dma source(%dma_start3A_117 : memref<10240x128xf32, #tpu.memory_space<hbm>>) target(%arg8 : memref<128x128xf32, #tpu.memory_space<vmem>>) offsets(%dma_start3A_114 : memref<128xi32, #tpu.memory_space<vmem>>) semaphore(%arg11 : memref<!tpu.dma_semaphore, #tpu.memory_space<semaphore_mem>>)
      %scan3A_118 = arith.constant 0 : i32
      %scan3A_119 = arith.constant 0 : i32
      %scan3A_120 = arith.constant 16 : i32
      %scan3A_121 = arith.addi %scan3A_119, %scan3A_120 : i32
      %scan3A_122 = arith.constant 1 : i32
      scf.for %scan3A_124 = %scan3A_119 to %scan3A_121 step %scan3A_122  : i32 {
        %mul3A_125 = arith.constant 2 : i32
        %mul3A_126 = arith.muli %mul3A_125, %scan3A_124 : i32
        %mul3A_127 = arith.constant 2 : i32
        %mul3A_128 = arith.muli %mul3A_127, %scan3A_124 : i32
        %add3A_129 = arith.constant 1 : i32
        %add3A_130 = arith.addi %mul3A_128, %add3A_129 : i32
        %dma_wait3A_131 = arith.constant 0 : i32
        %dma_wait3A_132 = tpu.memref_slice %arg6[%mul3A_126, %dma_wait3A_131] : memref<32x128xi32, #tpu.memory_space<vmem>> -> memref<1x128xi32, #tpu.memory_space<vmem>>
        %dma_wait3A_133 = tpu.memref_squeeze %dma_wait3A_132 : memref<1x128xi32, #tpu.memory_space<vmem>> -> memref<128xi32, #tpu.memory_space<vmem>>
        %dma_wait3A_134 = arith.constant 0 : i32
        %dma_wait3A_135 = arith.constant 0 : i32
        %dma_wait3A_136 = tpu.memref_slice %arg2[%dma_wait3A_134, %dma_wait3A_135] : memref<10240x128xf32, #tpu.memory_space<hbm>> -> memref<10240x128xf32, #tpu.memory_space<hbm>>
        tpu.wait_indirect_dma semaphore(%arg11 : memref<!tpu.dma_semaphore, #tpu.memory_space<semaphore_mem>>) src(%dma_wait3A_136 : memref<10240x128xf32, #tpu.memory_space<hbm>>) dst(%arg8 : memref<128x128xf32, #tpu.memory_space<vmem>>)
        %dma_start3A_137 = arith.constant 0 : i32
        %dma_start3A_138 = tpu.memref_slice %arg6[%add3A_130, %dma_start3A_137] : memref<32x128xi32, #tpu.memory_space<vmem>> -> memref<1x128xi32, #tpu.memory_space<vmem>>
        %dma_start3A_139 = tpu.memref_squeeze %dma_start3A_138 : memref<1x128xi32, #tpu.memory_space<vmem>> -> memref<128xi32, #tpu.memory_space<vmem>>
        %dma_start3A_140 = arith.constant 0 : i32
        %dma_start3A_141 = arith.constant 0 : i32
        %dma_start3A_142 = tpu.memref_slice %arg2[%dma_start3A_140, %dma_start3A_141] : memref<10240x128xf32, #tpu.memory_space<hbm>> -> memref<10240x128xf32, #tpu.memory_space<hbm>>
        tpu.enqueue_indirect_dma source(%dma_start3A_142 : memref<10240x128xf32, #tpu.memory_space<hbm>>) target(%arg9 : memref<128x128xf32, #tpu.memory_space<vmem>>) offsets(%dma_start3A_139 : memref<128xi32, #tpu.memory_space<vmem>>) semaphore(%arg12 : memref<!tpu.dma_semaphore, #tpu.memory_space<semaphore_mem>>)
        %dma_start3A_143 = arith.constant 0 : i32
        %dma_start3A_144 = tpu.memref_slice %arg7[%mul3A_126, %dma_start3A_143] : memref<32x128xi32, #tpu.memory_space<vmem>> -> memref<1x128xi32, #tpu.memory_space<vmem>>
        %dma_start3A_145 = tpu.memref_squeeze %dma_start3A_144 : memref<1x128xi32, #tpu.memory_space<vmem>> -> memref<128xi32, #tpu.memory_space<vmem>>
        %dma_start3A_146 = arith.constant 0 : i32
        %dma_start3A_147 = arith.constant 0 : i32
        %dma_start3A_148 = tpu.memref_slice %arg10[%dma_start3A_146, %dma_start3A_147] : memref<10240x128xf32, #tpu.memory_space<vmem_shared>> -> memref<10240x128xf32, #tpu.memory_space<vmem_shared>>
        tpu.enqueue_indirect_dma source(%arg8 : memref<128x128xf32, #tpu.memory_space<vmem>>) target(%dma_start3A_148 : memref<10240x128xf32, #tpu.memory_space<vmem_shared>>) offsets(%dma_start3A_145 : memref<128xi32, #tpu.memory_space<vmem>>) semaphore(%arg13 : memref<!tpu.dma_semaphore, #tpu.memory_space<semaphore_mem>>) {add = true}
        %dma_wait3A_149 = arith.constant 0 : i32
        %dma_wait3A_150 = tpu.memref_slice %arg6[%add3A_130, %dma_wait3A_149] : memref<32x128xi32, #tpu.memory_space<vmem>> -> memref<1x128xi32, #tpu.memory_space<vmem>>
        %dma_wait3A_151 = tpu.memref_squeeze %dma_wait3A_150 : memref<1x128xi32, #tpu.memory_space<vmem>> -> memref<128xi32, #tpu.memory_space<vmem>>
        %dma_wait3A_152 = arith.constant 0 : i32
        %dma_wait3A_153 = arith.constant 0 : i32
        %dma_wait3A_154 = tpu.memref_slice %arg2[%dma_wait3A_152, %dma_wait3A_153] : memref<10240x128xf32, #tpu.memory_space<hbm>> -> memref<10240x128xf32, #tpu.memory_space<hbm>>
        tpu.wait_indirect_dma semaphore(%arg12 : memref<!tpu.dma_semaphore, #tpu.memory_space<semaphore_mem>>) src(%dma_wait3A_154 : memref<10240x128xf32, #tpu.memory_space<hbm>>) dst(%arg9 : memref<128x128xf32, #tpu.memory_space<vmem>>)
        %dma_wait3A_155 = arith.constant 0 : i32
        %dma_wait3A_156 = tpu.memref_slice %arg7[%mul3A_126, %dma_wait3A_155] : memref<32x128xi32, #tpu.memory_space<vmem>> -> memref<1x128xi32, #tpu.memory_space<vmem>>
        %dma_wait3A_157 = tpu.memref_squeeze %dma_wait3A_156 : memref<1x128xi32, #tpu.memory_space<vmem>> -> memref<128xi32, #tpu.memory_space<vmem>>
        %dma_wait3A_158 = arith.constant 0 : i32
        %dma_wait3A_159 = arith.constant 0 : i32
        %dma_wait3A_160 = tpu.memref_slice %arg10[%dma_wait3A_158, %dma_wait3A_159] : memref<10240x128xf32, #tpu.memory_space<vmem_shared>> -> memref<10240x128xf32, #tpu.memory_space<vmem_shared>>
        tpu.wait_indirect_dma semaphore(%arg13 : memref<!tpu.dma_semaphore, #tpu.memory_space<semaphore_mem>>) src(%arg8 : memref<128x128xf32, #tpu.memory_space<vmem>>) dst(%dma_wait3A_160 : memref<10240x128xf32, #tpu.memory_space<vmem_shared>>)
        %lt3A = arith.constant 15 : i32
        %lt3A_161 = arith.cmpi slt, %scan3A_124, %lt3A : i32
        %convert_element_type3A = arith.extui %lt3A_161 : i1 to i32
        %cond3A = arith.constant 0 : i32
        %cond3A_162 = arith.cmpi ne, %convert_element_type3A, %cond3A : i32
        scf.if %cond3A_162 {
          %add3A_175 = arith.constant 2 : i32
          %add3A_176 = arith.addi %mul3A_126, %add3A_175 : i32
          %dma_start3A_177 = arith.constant 0 : i32
          %dma_start3A_178 = tpu.memref_slice %arg6[%add3A_176, %dma_start3A_177] : memref<32x128xi32, #tpu.memory_space<vmem>> -> memref<1x128xi32, #tpu.memory_space<vmem>>
          %dma_start3A_179 = tpu.memref_squeeze %dma_start3A_178 : memref<1x128xi32, #tpu.memory_space<vmem>> -> memref<128xi32, #tpu.memory_space<vmem>>
          %dma_start3A_180 = arith.constant 0 : i32
          %dma_start3A_181 = arith.constant 0 : i32
          %dma_start3A_182 = tpu.memref_slice %arg2[%dma_start3A_180, %dma_start3A_181] : memref<10240x128xf32, #tpu.memory_space<hbm>> -> memref<10240x128xf32, #tpu.memory_space<hbm>>
          tpu.enqueue_indirect_dma source(%dma_start3A_182 : memref<10240x128xf32, #tpu.memory_space<hbm>>) target(%arg8 : memref<128x128xf32, #tpu.memory_space<vmem>>) offsets(%dma_start3A_179 : memref<128xi32, #tpu.memory_space<vmem>>) semaphore(%arg11 : memref<!tpu.dma_semaphore, #tpu.memory_space<semaphore_mem>>)
        } else {
        }
        %dma_start3A_163 = arith.constant 0 : i32
        %dma_start3A_164 = tpu.memref_slice %arg7[%add3A_130, %dma_start3A_163] : memref<32x128xi32, #tpu.memory_space<vmem>> -> memref<1x128xi32, #tpu.memory_space<vmem>>
        %dma_start3A_165 = tpu.memref_squeeze %dma_start3A_164 : memref<1x128xi32, #tpu.memory_space<vmem>> -> memref<128xi32, #tpu.memory_space<vmem>>
        %dma_start3A_166 = arith.constant 0 : i32
        %dma_start3A_167 = arith.constant 0 : i32
        %dma_start3A_168 = tpu.memref_slice %arg10[%dma_start3A_166, %dma_start3A_167] : memref<10240x128xf32, #tpu.memory_space<vmem_shared>> -> memref<10240x128xf32, #tpu.memory_space<vmem_shared>>
        tpu.enqueue_indirect_dma source(%arg9 : memref<128x128xf32, #tpu.memory_space<vmem>>) target(%dma_start3A_168 : memref<10240x128xf32, #tpu.memory_space<vmem_shared>>) offsets(%dma_start3A_165 : memref<128xi32, #tpu.memory_space<vmem>>) semaphore(%arg14 : memref<!tpu.dma_semaphore, #tpu.memory_space<semaphore_mem>>) {add = true}
        %dma_wait3A_169 = arith.constant 0 : i32
        %dma_wait3A_170 = tpu.memref_slice %arg7[%add3A_130, %dma_wait3A_169] : memref<32x128xi32, #tpu.memory_space<vmem>> -> memref<1x128xi32, #tpu.memory_space<vmem>>
        %dma_wait3A_171 = tpu.memref_squeeze %dma_wait3A_170 : memref<1x128xi32, #tpu.memory_space<vmem>> -> memref<128xi32, #tpu.memory_space<vmem>>
        %dma_wait3A_172 = arith.constant 0 : i32
        %dma_wait3A_173 = arith.constant 0 : i32
        %dma_wait3A_174 = tpu.memref_slice %arg10[%dma_wait3A_172, %dma_wait3A_173] : memref<10240x128xf32, #tpu.memory_space<vmem_shared>> -> memref<10240x128xf32, #tpu.memory_space<vmem_shared>>
        tpu.wait_indirect_dma semaphore(%arg14 : memref<!tpu.dma_semaphore, #tpu.memory_space<semaphore_mem>>) src(%arg9 : memref<128x128xf32, #tpu.memory_space<vmem>>) dst(%dma_wait3A_174 : memref<10240x128xf32, #tpu.memory_space<vmem_shared>>)
      }
      %scan3A_123 = arith.constant 16 : i32
    }
    %barrier3A_102 = arith.constant 0 : index
    tpu.barrier barrier_id(%barrier3A_102)
    %mul3A_103 = arith.constant 640 : i32
    %mul3A_104 = arith.muli %arg1, %mul3A_103 : i32
    %mul3A_105 = arith.constant 640 : i32
    %mul3A_106 = arith.muli %arg1, %mul3A_105 : i32
    "tpu.region"() ({
      %run_scoped3A = tpu.sem_alloc : memref<!tpu.dma_semaphore, #tpu.memory_space<semaphore_mem>>
      %dma_start3A_107 = arith.constant 0 : i32
      %dma_start3A_108 = tpu.memref_slice %arg5[%arg0, %mul3A_106, %dma_start3A_107] : memref<2x10240x128xf32, #tpu.memory_space<hbm>> -> memref<1x640x128xf32, #tpu.memory_space<hbm>>
      %dma_start3A_109 = tpu.memref_squeeze %dma_start3A_108 : memref<1x640x128xf32, #tpu.memory_space<hbm>> -> memref<640x128xf32, #tpu.memory_space<hbm>>
      %dma_start3A_110 = arith.constant 0 : i32
      %dma_start3A_111 = tpu.memref_slice %arg10[%mul3A_104, %dma_start3A_110] : memref<10240x128xf32, #tpu.memory_space<vmem_shared>> -> memref<640x128xf32, #tpu.memory_space<vmem_shared>>
      tpu.enqueue_dma source(%dma_start3A_111 : memref<640x128xf32, #tpu.memory_space<vmem_shared>>) target(%dma_start3A_109 : memref<640x128xf32, #tpu.memory_space<hbm>>) target_semaphore(%run_scoped3A : memref<!tpu.dma_semaphore, #tpu.memory_space<semaphore_mem>>)
      %dma_wait3A_112 = arith.constant 0 : i32
      %dma_wait3A_113 = tpu.memref_slice %arg5[%arg0, %mul3A_106, %dma_wait3A_112] : memref<2x10240x128xf32, #tpu.memory_space<hbm>> -> memref<1x640x128xf32, #tpu.memory_space<hbm>>
      %dma_wait3A_114 = tpu.memref_squeeze %dma_wait3A_113 : memref<1x640x128xf32, #tpu.memory_space<hbm>> -> memref<640x128xf32, #tpu.memory_space<hbm>>
      %dma_wait3A_115 = arith.constant 0 : i32
      %dma_wait3A_116 = tpu.memref_slice %arg10[%mul3A_104, %dma_wait3A_115] : memref<10240x128xf32, #tpu.memory_space<vmem_shared>> -> memref<640x128xf32, #tpu.memory_space<vmem_shared>>
      tpu.wait_dma2 semaphore(%run_scoped3A : memref<!tpu.dma_semaphore, #tpu.memory_space<semaphore_mem>>) src(%dma_wait3A_116 : memref<640x128xf32, #tpu.memory_space<vmem_shared>>) dst(%dma_wait3A_114 : memref<640x128xf32, #tpu.memory_space<hbm>>)
      tpu.yield
    }) : () -> ()
    return
  }
}

#map = affine_map<(d0, d1) -> (0, 0)>
#map1 = affine_map<(d0, d1) -> (0, 0, 0)>
module attributes {stable_mosaic.version = 14 : i64} {
  func.func @_scatter_kernel(%arg0: i32, %arg1: i32, %arg2: memref<10240x128xf32, #tpu.memory_space<hbm>>, %arg3: memref<2560x128xi32, #tpu.memory_space<hbm>>, %arg4: memref<2560x128xi32, #tpu.memory_space<hbm>>, %arg5: memref<2x10240x128xf32, #tpu.memory_space<hbm>>, %arg6: memref<32x128xi32, #tpu.memory_space<vmem>>, %arg7: memref<32x128xi32, #tpu.memory_space<vmem>>, %arg8: memref<128x128xf32, #tpu.memory_space<vmem>>, %arg9: memref<128x128xf32, #tpu.memory_space<vmem>>, %arg10: memref<10240x128xf32, #tpu.memory_space<vmem_shared>>, %arg11: memref<!tpu.dma_semaphore, #tpu.memory_space<semaphore_mem>>, %arg12: memref<!tpu.dma_semaphore, #tpu.memory_space<semaphore_mem>>, %arg13: memref<!tpu.dma_semaphore, #tpu.memory_space<semaphore_mem>>, %arg14: memref<!tpu.dma_semaphore, #tpu.memory_space<semaphore_mem>>) attributes {dimension_semantics = [#tpu.dimension_semantics<core_parallel>, #tpu.dimension_semantics<subcore_parallel>], iteration_bounds = array<i64: 2, 16>, scalar_prefetch = 0 : i64, scratch_operands = 9 : i64, tpu.core_type = #tpu.core_type<sc_vector_subcore>, window_params = [{transform_indices = #map}, {transform_indices = #map}, {transform_indices = #map}, {transform_indices = #map1}]} {
    %broadcast_in_dim3A = arith.constant 0.000000e+00 : f32
    %broadcast_in_dim3A_0 = vector.broadcast %broadcast_in_dim3A : f32 to vector<16xf32>
    %scan3A = arith.constant 0 : i32
    %scan3A_1 = arith.constant 0 : i32
    %scan3A_2 = arith.constant 128 : i32
    %scan3A_3 = arith.addi %scan3A_1, %scan3A_2 : i32
    %scan3A_4 = arith.constant 1 : i32
    scf.for %scan3A_107 = %scan3A_1 to %scan3A_3 step %scan3A_4  : i32 {
      %swap3A = arith.index_cast %scan3A_107 : i32 to index
      %swap3A_108 = arith.constant 0 : index
      %swap3A_109 = tpu.vector_load %arg8[%swap3A, %swap3A_108] {strides = array<i32>} : memref<128x128xf32, #tpu.memory_space<vmem>>, vector<1x16xf32>,
      %swap3A_110 = vector.shape_cast %swap3A_109 : vector<1x16xf32> to vector<16xf32>
      %swap3A_111 = vector.shape_cast %broadcast_in_dim3A_0 : vector<16xf32> to vector<1x16xf32>
      tpu.vector_store %arg8[%swap3A, %swap3A_108], %swap3A_111 {strides = array<i32>} : memref<128x128xf32, #tpu.memory_space<vmem>>, vector<1x16xf32>,
      %swap3A_112 = arith.index_cast %scan3A_107 : i32 to index
      %swap3A_113 = arith.constant 16 : index
      %swap3A_114 = tpu.vector_load %arg8[%swap3A_112, %swap3A_113] {strides = array<i32>} : memref<128x128xf32, #tpu.memory_space<vmem>>, vector<1x16xf32>,
      %swap3A_115 = vector.shape_cast %swap3A_114 : vector<1x16xf32> to vector<16xf32>
      %swap3A_116 = vector.shape_cast %broadcast_in_dim3A_0 : vector<16xf32> to vector<1x16xf32>
      tpu.vector_store %arg8[%swap3A_112, %swap3A_113], %swap3A_116 {strides = array<i32>} : memref<128x128xf32, #tpu.memory_space<vmem>>, vector<1x16xf32>,
      %swap3A_117 = arith.index_cast %scan3A_107 : i32 to index
      %swap3A_118 = arith.constant 32 : index
      %swap3A_119 = tpu.vector_load %arg8[%swap3A_117, %swap3A_118] {strides = array<i32>} : memref<128x128xf32, #tpu.memory_space<vmem>>, vector<1x16xf32>,
      %swap3A_120 = vector.shape_cast %swap3A_119 : vector<1x16xf32> to vector<16xf32>
      %swap3A_121 = vector.shape_cast %broadcast_in_dim3A_0 : vector<16xf32> to vector<1x16xf32>
      tpu.vector_store %arg8[%swap3A_117, %swap3A_118], %swap3A_121 {strides = array<i32>} : memref<128x128xf32, #tpu.memory_space<vmem>>, vector<1x16xf32>,
      %swap3A_122 = arith.index_cast %scan3A_107 : i32 to index
      %swap3A_123 = arith.constant 48 : index
      %swap3A_124 = tpu.vector_load %arg8[%swap3A_122, %swap3A_123] {strides = array<i32>} : memref<128x128xf32, #tpu.memory_space<vmem>>, vector<1x16xf32>,
      %swap3A_125 = vector.shape_cast %swap3A_124 : vector<1x16xf32> to vector<16xf32>
      %swap3A_126 = vector.shape_cast %broadcast_in_dim3A_0 : vector<16xf32> to vector<1x16xf32>
      tpu.vector_store %arg8[%swap3A_122, %swap3A_123], %swap3A_126 {strides = array<i32>} : memref<128x128xf32, #tpu.memory_space<vmem>>, vector<1x16xf32>,
      %swap3A_127 = arith.index_cast %scan3A_107 : i32 to index
      %swap3A_128 = arith.constant 64 : index
      %swap3A_129 = tpu.vector_load %arg8[%swap3A_127, %swap3A_128] {strides = array<i32>} : memref<128x128xf32, #tpu.memory_space<vmem>>, vector<1x16xf32>,
      %swap3A_130 = vector.shape_cast %swap3A_129 : vector<1x16xf32> to vector<16xf32>
      %swap3A_131 = vector.shape_cast %broadcast_in_dim3A_0 : vector<16xf32> to vector<1x16xf32>
      tpu.vector_store %arg8[%swap3A_127, %swap3A_128], %swap3A_131 {strides = array<i32>} : memref<128x128xf32, #tpu.memory_space<vmem>>, vector<1x16xf32>,
      %swap3A_132 = arith.index_cast %scan3A_107 : i32 to index
      %swap3A_133 = arith.constant 80 : index
      %swap3A_134 = tpu.vector_load %arg8[%swap3A_132, %swap3A_133] {strides = array<i32>} : memref<128x128xf32, #tpu.memory_space<vmem>>, vector<1x16xf32>,
      %swap3A_135 = vector.shape_cast %swap3A_134 : vector<1x16xf32> to vector<16xf32>
      %swap3A_136 = vector.shape_cast %broadcast_in_dim3A_0 : vector<16xf32> to vector<1x16xf32>
      tpu.vector_store %arg8[%swap3A_132, %swap3A_133], %swap3A_136 {strides = array<i32>} : memref<128x128xf32, #tpu.memory_space<vmem>>, vector<1x16xf32>,
      %swap3A_137 = arith.index_cast %scan3A_107 : i32 to index
      %swap3A_138 = arith.constant 96 : index
      %swap3A_139 = tpu.vector_load %arg8[%swap3A_137, %swap3A_138] {strides = array<i32>} : memref<128x128xf32, #tpu.memory_space<vmem>>, vector<1x16xf32>,
      %swap3A_140 = vector.shape_cast %swap3A_139 : vector<1x16xf32> to vector<16xf32>
      %swap3A_141 = vector.shape_cast %broadcast_in_dim3A_0 : vector<16xf32> to vector<1x16xf32>
      tpu.vector_store %arg8[%swap3A_137, %swap3A_138], %swap3A_141 {strides = array<i32>} : memref<128x128xf32, #tpu.memory_space<vmem>>, vector<1x16xf32>,
      %swap3A_142 = arith.index_cast %scan3A_107 : i32 to index
      %swap3A_143 = arith.constant 112 : index
      %swap3A_144 = tpu.vector_load %arg8[%swap3A_142, %swap3A_143] {strides = array<i32>} : memref<128x128xf32, #tpu.memory_space<vmem>>, vector<1x16xf32>,
      %swap3A_145 = vector.shape_cast %swap3A_144 : vector<1x16xf32> to vector<16xf32>
      %swap3A_146 = vector.shape_cast %broadcast_in_dim3A_0 : vector<16xf32> to vector<1x16xf32>
      tpu.vector_store %arg8[%swap3A_142, %swap3A_143], %swap3A_146 {strides = array<i32>} : memref<128x128xf32, #tpu.memory_space<vmem>>, vector<1x16xf32>,
    }
    %scan3A_5 = arith.constant 128 : i32
    %mul3A = arith.constant 640 : i32
    %mul3A_6 = arith.muli %arg1, %mul3A : i32
    %add3A = arith.constant 0 : i32
    %add3A_7 = arith.addi %mul3A_6, %add3A : i32
    %dma_start3A = arith.constant 0 : i32
    %dma_start3A_8 = tpu.memref_slice %arg10[%add3A_7, %dma_start3A] : memref<10240x128xf32, #tpu.memory_space<vmem_shared>> -> memref<128x128xf32, #tpu.memory_space<vmem_shared>>
    %dma_start3A_9 = arith.constant 0 : i32
    %dma_start3A_10 = tpu.memref_slice %arg10[%add3A_7, %dma_start3A_9] : memref<10240x128xf32, #tpu.memory_space<vmem_shared>> -> memref<128x128xf32, #tpu.memory_space<vmem_shared>>
    tpu.enqueue_dma source(%arg8 : memref<128x128xf32, #tpu.memory_space<vmem>>) target(%dma_start3A_10 : memref<128x128xf32, #tpu.memory_space<vmem_shared>>) target_semaphore(%arg13 : memref<!tpu.dma_semaphore, #tpu.memory_space<semaphore_mem>>)
    %mul3A_11 = arith.constant 640 : i32
    %mul3A_12 = arith.muli %arg1, %mul3A_11 : i32
    %add3A_13 = arith.constant 128 : i32
    %add3A_14 = arith.addi %mul3A_12, %add3A_13 : i32
    %dma_start3A_15 = arith.constant 0 : i32
    %dma_start3A_16 = tpu.memref_slice %arg10[%add3A_14, %dma_start3A_15] : memref<10240x128xf32, #tpu.memory_space<vmem_shared>> -> memref<128x128xf32, #tpu.memory_space<vmem_shared>>
    %dma_start3A_17 = arith.constant 0 : i32
    %dma_start3A_18 = tpu.memref_slice %arg10[%add3A_14, %dma_start3A_17] : memref<10240x128xf32, #tpu.memory_space<vmem_shared>> -> memref<128x128xf32, #tpu.memory_space<vmem_shared>>
    tpu.enqueue_dma source(%arg8 : memref<128x128xf32, #tpu.memory_space<vmem>>) target(%dma_start3A_18 : memref<128x128xf32, #tpu.memory_space<vmem_shared>>) target_semaphore(%arg13 : memref<!tpu.dma_semaphore, #tpu.memory_space<semaphore_mem>>)
    %mul3A_19 = arith.constant 640 : i32
    %mul3A_20 = arith.muli %arg1, %mul3A_19 : i32
    %add3A_21 = arith.constant 256 : i32
    %add3A_22 = arith.addi %mul3A_20, %add3A_21 : i32
    %dma_start3A_23 = arith.constant 0 : i32
    %dma_start3A_24 = tpu.memref_slice %arg10[%add3A_22, %dma_start3A_23] : memref<10240x128xf32, #tpu.memory_space<vmem_shared>> -> memref<128x128xf32, #tpu.memory_space<vmem_shared>>
    %dma_start3A_25 = arith.constant 0 : i32
    %dma_start3A_26 = tpu.memref_slice %arg10[%add3A_22, %dma_start3A_25] : memref<10240x128xf32, #tpu.memory_space<vmem_shared>> -> memref<128x128xf32, #tpu.memory_space<vmem_shared>>
    tpu.enqueue_dma source(%arg8 : memref<128x128xf32, #tpu.memory_space<vmem>>) target(%dma_start3A_26 : memref<128x128xf32, #tpu.memory_space<vmem_shared>>) target_semaphore(%arg13 : memref<!tpu.dma_semaphore, #tpu.memory_space<semaphore_mem>>)
    %mul3A_27 = arith.constant 640 : i32
    %mul3A_28 = arith.muli %arg1, %mul3A_27 : i32
    %add3A_29 = arith.constant 384 : i32
    %add3A_30 = arith.addi %mul3A_28, %add3A_29 : i32
    %dma_start3A_31 = arith.constant 0 : i32
    %dma_start3A_32 = tpu.memref_slice %arg10[%add3A_30, %dma_start3A_31] : memref<10240x128xf32, #tpu.memory_space<vmem_shared>> -> memref<128x128xf32, #tpu.memory_space<vmem_shared>>
    %dma_start3A_33 = arith.constant 0 : i32
    %dma_start3A_34 = tpu.memref_slice %arg10[%add3A_30, %dma_start3A_33] : memref<10240x128xf32, #tpu.memory_space<vmem_shared>> -> memref<128x128xf32, #tpu.memory_space<vmem_shared>>
    tpu.enqueue_dma source(%arg8 : memref<128x128xf32, #tpu.memory_space<vmem>>) target(%dma_start3A_34 : memref<128x128xf32, #tpu.memory_space<vmem_shared>>) target_semaphore(%arg13 : memref<!tpu.dma_semaphore, #tpu.memory_space<semaphore_mem>>)
    %mul3A_35 = arith.constant 640 : i32
    %mul3A_36 = arith.muli %arg1, %mul3A_35 : i32
    %add3A_37 = arith.constant 512 : i32
    %add3A_38 = arith.addi %mul3A_36, %add3A_37 : i32
    %dma_start3A_39 = arith.constant 0 : i32
    %dma_start3A_40 = tpu.memref_slice %arg10[%add3A_38, %dma_start3A_39] : memref<10240x128xf32, #tpu.memory_space<vmem_shared>> -> memref<128x128xf32, #tpu.memory_space<vmem_shared>>
    %dma_start3A_41 = arith.constant 0 : i32
    %dma_start3A_42 = tpu.memref_slice %arg10[%add3A_38, %dma_start3A_41] : memref<10240x128xf32, #tpu.memory_space<vmem_shared>> -> memref<128x128xf32, #tpu.memory_space<vmem_shared>>
    tpu.enqueue_dma source(%arg8 : memref<128x128xf32, #tpu.memory_space<vmem>>) target(%dma_start3A_42 : memref<128x128xf32, #tpu.memory_space<vmem_shared>>) target_semaphore(%arg13 : memref<!tpu.dma_semaphore, #tpu.memory_space<semaphore_mem>>)
    %mul3A_43 = arith.constant 640 : i32
    %mul3A_44 = arith.muli %arg1, %mul3A_43 : i32
    %add3A_45 = arith.constant 0 : i32
    %add3A_46 = arith.addi %mul3A_44, %add3A_45 : i32
    %dma_wait3A = arith.constant 0 : i32
    %dma_wait3A_47 = tpu.memref_slice %arg10[%add3A_46, %dma_wait3A] : memref<10240x128xf32, #tpu.memory_space<vmem_shared>> -> memref<128x128xf32, #tpu.memory_space<vmem_shared>>
    %dma_wait3A_48 = arith.constant 0 : i32
    %dma_wait3A_49 = tpu.memref_slice %arg10[%add3A_46, %dma_wait3A_48] : memref<10240x128xf32, #tpu.memory_space<vmem_shared>> -> memref<128x128xf32, #tpu.memory_space<vmem_shared>>
    tpu.wait_dma2 semaphore(%arg13 : memref<!tpu.dma_semaphore, #tpu.memory_space<semaphore_mem>>) src(%arg8 : memref<128x128xf32, #tpu.memory_space<vmem>>) dst(%dma_wait3A_49 : memref<128x128xf32, #tpu.memory_space<vmem_shared>>)
    %mul3A_50 = arith.constant 640 : i32
    %mul3A_51 = arith.muli %arg1, %mul3A_50 : i32
    %add3A_52 = arith.constant 128 : i32
    %add3A_53 = arith.addi %mul3A_51, %add3A_52 : i32
    %dma_wait3A_54 = arith.constant 0 : i32
    %dma_wait3A_55 = tpu.memref_slice %arg10[%add3A_53, %dma_wait3A_54] : memref<10240x128xf32, #tpu.memory_space<vmem_shared>> -> memref<128x128xf32, #tpu.memory_space<vmem_shared>>
    %dma_wait3A_56 = arith.constant 0 : i32
    %dma_wait3A_57 = tpu.memref_slice %arg10[%add3A_53, %dma_wait3A_56] : memref<10240x128xf32, #tpu.memory_space<vmem_shared>> -> memref<128x128xf32, #tpu.memory_space<vmem_shared>>
    tpu.wait_dma2 semaphore(%arg13 : memref<!tpu.dma_semaphore, #tpu.memory_space<semaphore_mem>>) src(%arg8 : memref<128x128xf32, #tpu.memory_space<vmem>>) dst(%dma_wait3A_57 : memref<128x128xf32, #tpu.memory_space<vmem_shared>>)
    %mul3A_58 = arith.constant 640 : i32
    %mul3A_59 = arith.muli %arg1, %mul3A_58 : i32
    %add3A_60 = arith.constant 256 : i32
    %add3A_61 = arith.addi %mul3A_59, %add3A_60 : i32
    %dma_wait3A_62 = arith.constant 0 : i32
    %dma_wait3A_63 = tpu.memref_slice %arg10[%add3A_61, %dma_wait3A_62] : memref<10240x128xf32, #tpu.memory_space<vmem_shared>> -> memref<128x128xf32, #tpu.memory_space<vmem_shared>>
    %dma_wait3A_64 = arith.constant 0 : i32
    %dma_wait3A_65 = tpu.memref_slice %arg10[%add3A_61, %dma_wait3A_64] : memref<10240x128xf32, #tpu.memory_space<vmem_shared>> -> memref<128x128xf32, #tpu.memory_space<vmem_shared>>
    tpu.wait_dma2 semaphore(%arg13 : memref<!tpu.dma_semaphore, #tpu.memory_space<semaphore_mem>>) src(%arg8 : memref<128x128xf32, #tpu.memory_space<vmem>>) dst(%dma_wait3A_65 : memref<128x128xf32, #tpu.memory_space<vmem_shared>>)
    %mul3A_66 = arith.constant 640 : i32
    %mul3A_67 = arith.muli %arg1, %mul3A_66 : i32
    %add3A_68 = arith.constant 384 : i32
    %add3A_69 = arith.addi %mul3A_67, %add3A_68 : i32
    %dma_wait3A_70 = arith.constant 0 : i32
    %dma_wait3A_71 = tpu.memref_slice %arg10[%add3A_69, %dma_wait3A_70] : memref<10240x128xf32, #tpu.memory_space<vmem_shared>> -> memref<128x128xf32, #tpu.memory_space<vmem_shared>>
    %dma_wait3A_72 = arith.constant 0 : i32
    %dma_wait3A_73 = tpu.memref_slice %arg10[%add3A_69, %dma_wait3A_72] : memref<10240x128xf32, #tpu.memory_space<vmem_shared>> -> memref<128x128xf32, #tpu.memory_space<vmem_shared>>
    tpu.wait_dma2 semaphore(%arg13 : memref<!tpu.dma_semaphore, #tpu.memory_space<semaphore_mem>>) src(%arg8 : memref<128x128xf32, #tpu.memory_space<vmem>>) dst(%dma_wait3A_73 : memref<128x128xf32, #tpu.memory_space<vmem_shared>>)
    %mul3A_74 = arith.constant 640 : i32
    %mul3A_75 = arith.muli %arg1, %mul3A_74 : i32
    %add3A_76 = arith.constant 512 : i32
    %add3A_77 = arith.addi %mul3A_75, %add3A_76 : i32
    %dma_wait3A_78 = arith.constant 0 : i32
    %dma_wait3A_79 = tpu.memref_slice %arg10[%add3A_77, %dma_wait3A_78] : memref<10240x128xf32, #tpu.memory_space<vmem_shared>> -> memref<128x128xf32, #tpu.memory_space<vmem_shared>>
    %dma_wait3A_80 = arith.constant 0 : i32
    %dma_wait3A_81 = tpu.memref_slice %arg10[%add3A_77, %dma_wait3A_80] : memref<10240x128xf32, #tpu.memory_space<vmem_shared>> -> memref<128x128xf32, #tpu.memory_space<vmem_shared>>
    tpu.wait_dma2 semaphore(%arg13 : memref<!tpu.dma_semaphore, #tpu.memory_space<semaphore_mem>>) src(%arg8 : memref<128x128xf32, #tpu.memory_space<vmem>>) dst(%dma_wait3A_81 : memref<128x128xf32, #tpu.memory_space<vmem_shared>>)
    %barrier3A = arith.constant 0 : index
    tpu.barrier barrier_id(%barrier3A)
    %eq3A = arith.constant 0 : i32
    %eq3A_82 = arith.cmpi eq, %arg0, %eq3A : i32
    %jit3A = arith.constant 4 : i32
    %jit3A_83 = arith.constant 1 : i32
    %select_n3A = arith.select %eq3A_82, %jit3A, %jit3A_83 : i32
    %eq3A_84 = arith.constant 0 : i32
    %eq3A_85 = arith.cmpi eq, %arg0, %eq3A_84 : i32
    %mul3A_86 = arith.constant 128 : i32
    %mul3A_87 = arith.muli %arg1, %mul3A_86 : i32
    %mul3A_88 = arith.constant 32 : i32
    %mul3A_89 = arith.muli %arg1, %mul3A_88 : i32
    %add3A_90 = arith.constant 2048 : i32
    %add3A_91 = arith.addi %add3A_90, %mul3A_89 : i32
    %select_n3A_92 = arith.select %eq3A_85, %mul3A_87, %add3A_91 : i32
    %while3A = arith.constant 0 : i32
    %while3A_93 = arith.constant 0 : i32
    %while3A_94 = arith.subi %select_n3A, %while3A_93 : i32
    %while3A_95 = arith.addi %while3A_93, %while3A_94 : i32
    %while3A_96 = arith.constant 1 : i32
    %while3A_97 = arith.divsi %while3A_94, %while3A_96 : i32
    %while3A_98 = arith.muli %while3A_97, %while3A_96 : i32
    %while3A_99 = arith.addi %while3A_93, %while3A_98 : i32
    %while3A_100 = arith.constant 1 : i32
    scf.for %while3A_107 = %while3A_93 to %while3A_99 step %while3A_100  : i32 {
      %mul3A_108 = arith.constant 32 : i32
      %mul3A_109 = arith.muli %while3A_107, %mul3A_108 : i32
      %add3A_110 = arith.addi %select_n3A_92, %mul3A_109 : i32
      "tpu.region"() ({
        %run_scoped3A = tpu.sem_alloc : memref<!tpu.dma_semaphore, #tpu.memory_space<semaphore_mem>>
        %dma_start3A_124 = arith.constant 0 : i32
        %dma_start3A_125 = tpu.memref_slice %arg3[%add3A_110, %dma_start3A_124] : memref<2560x128xi32, #tpu.memory_space<hbm>> -> memref<32x128xi32, #tpu.memory_space<hbm>>
        %dma_start3A_126 = arith.constant 0 : i32
        %dma_start3A_127 = tpu.memref_slice %arg3[%add3A_110, %dma_start3A_126] : memref<2560x128xi32, #tpu.memory_space<hbm>> -> memref<32x128xi32, #tpu.memory_space<hbm>>
        tpu.enqueue_dma source(%dma_start3A_127 : memref<32x128xi32, #tpu.memory_space<hbm>>) target(%arg6 : memref<32x128xi32, #tpu.memory_space<vmem>>) target_semaphore(%run_scoped3A : memref<!tpu.dma_semaphore, #tpu.memory_space<semaphore_mem>>)
        %dma_wait3A_128 = arith.constant 0 : i32
        %dma_wait3A_129 = tpu.memref_slice %arg3[%add3A_110, %dma_wait3A_128] : memref<2560x128xi32, #tpu.memory_space<hbm>> -> memref<32x128xi32, #tpu.memory_space<hbm>>
        %dma_wait3A_130 = arith.constant 0 : i32
        %dma_wait3A_131 = tpu.memref_slice %arg3[%add3A_110, %dma_wait3A_130] : memref<2560x128xi32, #tpu.memory_space<hbm>> -> memref<32x128xi32, #tpu.memory_space<hbm>>
        tpu.wait_dma2 semaphore(%run_scoped3A : memref<!tpu.dma_semaphore, #tpu.memory_space<semaphore_mem>>) src(%dma_wait3A_131 : memref<32x128xi32, #tpu.memory_space<hbm>>) dst(%arg6 : memref<32x128xi32, #tpu.memory_space<vmem>>)
        tpu.yield
      }) : () -> ()
      "tpu.region"() ({
        %run_scoped3A = tpu.sem_alloc : memref<!tpu.dma_semaphore, #tpu.memory_space<semaphore_mem>>
        %dma_start3A_124 = arith.constant 0 : i32
        %dma_start3A_125 = tpu.memref_slice %arg4[%add3A_110, %dma_start3A_124] : memref<2560x128xi32, #tpu.memory_space<hbm>> -> memref<32x128xi32, #tpu.memory_space<hbm>>
        %dma_start3A_126 = arith.constant 0 : i32
        %dma_start3A_127 = tpu.memref_slice %arg4[%add3A_110, %dma_start3A_126] : memref<2560x128xi32, #tpu.memory_space<hbm>> -> memref<32x128xi32, #tpu.memory_space<hbm>>
        tpu.enqueue_dma source(%dma_start3A_127 : memref<32x128xi32, #tpu.memory_space<hbm>>) target(%arg7 : memref<32x128xi32, #tpu.memory_space<vmem>>) target_semaphore(%run_scoped3A : memref<!tpu.dma_semaphore, #tpu.memory_space<semaphore_mem>>)
        %dma_wait3A_128 = arith.constant 0 : i32
        %dma_wait3A_129 = tpu.memref_slice %arg4[%add3A_110, %dma_wait3A_128] : memref<2560x128xi32, #tpu.memory_space<hbm>> -> memref<32x128xi32, #tpu.memory_space<hbm>>
        %dma_wait3A_130 = arith.constant 0 : i32
        %dma_wait3A_131 = tpu.memref_slice %arg4[%add3A_110, %dma_wait3A_130] : memref<2560x128xi32, #tpu.memory_space<hbm>> -> memref<32x128xi32, #tpu.memory_space<hbm>>
        tpu.wait_dma2 semaphore(%run_scoped3A : memref<!tpu.dma_semaphore, #tpu.memory_space<semaphore_mem>>) src(%dma_wait3A_131 : memref<32x128xi32, #tpu.memory_space<hbm>>) dst(%arg7 : memref<32x128xi32, #tpu.memory_space<vmem>>)
        tpu.yield
      }) : () -> ()
      %dma_start3A_111 = arith.constant 0 : i32
      %dma_start3A_112 = arith.constant 0 : i32
      %dma_start3A_113 = tpu.memref_slice %arg6[%dma_start3A_111, %dma_start3A_112] : memref<32x128xi32, #tpu.memory_space<vmem>> -> memref<1x128xi32, #tpu.memory_space<vmem>>
      %dma_start3A_114 = tpu.memref_squeeze %dma_start3A_113 : memref<1x128xi32, #tpu.memory_space<vmem>> -> memref<128xi32, #tpu.memory_space<vmem>>
      %dma_start3A_115 = arith.constant 0 : i32
      %dma_start3A_116 = arith.constant 0 : i32
      %dma_start3A_117 = tpu.memref_slice %arg2[%dma_start3A_115, %dma_start3A_116] : memref<10240x128xf32, #tpu.memory_space<hbm>> -> memref<10240x128xf32, #tpu.memory_space<hbm>>
      tpu.enqueue_indirect_dma source(%dma_start3A_117 : memref<10240x128xf32, #tpu.memory_space<hbm>>) target(%arg8 : memref<128x128xf32, #tpu.memory_space<vmem>>) offsets(%dma_start3A_114 : memref<128xi32, #tpu.memory_space<vmem>>) semaphore(%arg11 : memref<!tpu.dma_semaphore, #tpu.memory_space<semaphore_mem>>)
      %scan3A_118 = arith.constant 0 : i32
      %scan3A_119 = arith.constant 0 : i32
      %scan3A_120 = arith.constant 16 : i32
      %scan3A_121 = arith.addi %scan3A_119, %scan3A_120 : i32
      %scan3A_122 = arith.constant 1 : i32
      scf.for %scan3A_124 = %scan3A_119 to %scan3A_121 step %scan3A_122  : i32 {
        %mul3A_125 = arith.constant 2 : i32
        %mul3A_126 = arith.muli %mul3A_125, %scan3A_124 : i32
        %mul3A_127 = arith.constant 2 : i32
        %mul3A_128 = arith.muli %mul3A_127, %scan3A_124 : i32
        %add3A_129 = arith.constant 1 : i32
        %add3A_130 = arith.addi %mul3A_128, %add3A_129 : i32
        %dma_wait3A_131 = arith.constant 0 : i32
        %dma_wait3A_132 = tpu.memref_slice %arg6[%mul3A_126, %dma_wait3A_131] : memref<32x128xi32, #tpu.memory_space<vmem>> -> memref<1x128xi32, #tpu.memory_space<vmem>>
        %dma_wait3A_133 = tpu.memref_squeeze %dma_wait3A_132 : memref<1x128xi32, #tpu.memory_space<vmem>> -> memref<128xi32, #tpu.memory_space<vmem>>
        %dma_wait3A_134 = arith.constant 0 : i32
        %dma_wait3A_135 = arith.constant 0 : i32
        %dma_wait3A_136 = tpu.memref_slice %arg2[%dma_wait3A_134, %dma_wait3A_135] : memref<10240x128xf32, #tpu.memory_space<hbm>> -> memref<10240x128xf32, #tpu.memory_space<hbm>>
        tpu.wait_indirect_dma semaphore(%arg11 : memref<!tpu.dma_semaphore, #tpu.memory_space<semaphore_mem>>) src(%dma_wait3A_136 : memref<10240x128xf32, #tpu.memory_space<hbm>>) dst(%arg8 : memref<128x128xf32, #tpu.memory_space<vmem>>)
        %dma_start3A_137 = arith.constant 0 : i32
        %dma_start3A_138 = tpu.memref_slice %arg6[%add3A_130, %dma_start3A_137] : memref<32x128xi32, #tpu.memory_space<vmem>> -> memref<1x128xi32, #tpu.memory_space<vmem>>
        %dma_start3A_139 = tpu.memref_squeeze %dma_start3A_138 : memref<1x128xi32, #tpu.memory_space<vmem>> -> memref<128xi32, #tpu.memory_space<vmem>>
        %dma_start3A_140 = arith.constant 0 : i32
        %dma_start3A_141 = arith.constant 0 : i32
        %dma_start3A_142 = tpu.memref_slice %arg2[%dma_start3A_140, %dma_start3A_141] : memref<10240x128xf32, #tpu.memory_space<hbm>> -> memref<10240x128xf32, #tpu.memory_space<hbm>>
        tpu.enqueue_indirect_dma source(%dma_start3A_142 : memref<10240x128xf32, #tpu.memory_space<hbm>>) target(%arg9 : memref<128x128xf32, #tpu.memory_space<vmem>>) offsets(%dma_start3A_139 : memref<128xi32, #tpu.memory_space<vmem>>) semaphore(%arg12 : memref<!tpu.dma_semaphore, #tpu.memory_space<semaphore_mem>>)
        %dma_start3A_143 = arith.constant 0 : i32
        %dma_start3A_144 = tpu.memref_slice %arg7[%mul3A_126, %dma_start3A_143] : memref<32x128xi32, #tpu.memory_space<vmem>> -> memref<1x128xi32, #tpu.memory_space<vmem>>
        %dma_start3A_145 = tpu.memref_squeeze %dma_start3A_144 : memref<1x128xi32, #tpu.memory_space<vmem>> -> memref<128xi32, #tpu.memory_space<vmem>>
        %dma_start3A_146 = arith.constant 0 : i32
        %dma_start3A_147 = arith.constant 0 : i32
        %dma_start3A_148 = tpu.memref_slice %arg10[%dma_start3A_146, %dma_start3A_147] : memref<10240x128xf32, #tpu.memory_space<vmem_shared>> -> memref<10240x128xf32, #tpu.memory_space<vmem_shared>>
        tpu.enqueue_indirect_dma source(%arg8 : memref<128x128xf32, #tpu.memory_space<vmem>>) target(%dma_start3A_148 : memref<10240x128xf32, #tpu.memory_space<vmem_shared>>) offsets(%dma_start3A_145 : memref<128xi32, #tpu.memory_space<vmem>>) semaphore(%arg13 : memref<!tpu.dma_semaphore, #tpu.memory_space<semaphore_mem>>) {add = true}
        %dma_wait3A_149 = arith.constant 0 : i32
        %dma_wait3A_150 = tpu.memref_slice %arg6[%add3A_130, %dma_wait3A_149] : memref<32x128xi32, #tpu.memory_space<vmem>> -> memref<1x128xi32, #tpu.memory_space<vmem>>
        %dma_wait3A_151 = tpu.memref_squeeze %dma_wait3A_150 : memref<1x128xi32, #tpu.memory_space<vmem>> -> memref<128xi32, #tpu.memory_space<vmem>>
        %dma_wait3A_152 = arith.constant 0 : i32
        %dma_wait3A_153 = arith.constant 0 : i32
        %dma_wait3A_154 = tpu.memref_slice %arg2[%dma_wait3A_152, %dma_wait3A_153] : memref<10240x128xf32, #tpu.memory_space<hbm>> -> memref<10240x128xf32, #tpu.memory_space<hbm>>
        tpu.wait_indirect_dma semaphore(%arg12 : memref<!tpu.dma_semaphore, #tpu.memory_space<semaphore_mem>>) src(%dma_wait3A_154 : memref<10240x128xf32, #tpu.memory_space<hbm>>) dst(%arg9 : memref<128x128xf32, #tpu.memory_space<vmem>>)
        %dma_wait3A_155 = arith.constant 0 : i32
        %dma_wait3A_156 = tpu.memref_slice %arg7[%mul3A_126, %dma_wait3A_155] : memref<32x128xi32, #tpu.memory_space<vmem>> -> memref<1x128xi32, #tpu.memory_space<vmem>>
        %dma_wait3A_157 = tpu.memref_squeeze %dma_wait3A_156 : memref<1x128xi32, #tpu.memory_space<vmem>> -> memref<128xi32, #tpu.memory_space<vmem>>
        %dma_wait3A_158 = arith.constant 0 : i32
        %dma_wait3A_159 = arith.constant 0 : i32
        %dma_wait3A_160 = tpu.memref_slice %arg10[%dma_wait3A_158, %dma_wait3A_159] : memref<10240x128xf32, #tpu.memory_space<vmem_shared>> -> memref<10240x128xf32, #tpu.memory_space<vmem_shared>>
        tpu.wait_indirect_dma semaphore(%arg13 : memref<!tpu.dma_semaphore, #tpu.memory_space<semaphore_mem>>) src(%arg8 : memref<128x128xf32, #tpu.memory_space<vmem>>) dst(%dma_wait3A_160 : memref<10240x128xf32, #tpu.memory_space<vmem_shared>>)
        %lt3A = arith.constant 15 : i32
        %lt3A_161 = arith.cmpi slt, %scan3A_124, %lt3A : i32
        %convert_element_type3A = arith.extui %lt3A_161 : i1 to i32
        %cond3A = arith.constant 0 : i32
        %cond3A_162 = arith.cmpi ne, %convert_element_type3A, %cond3A : i32
        scf.if %cond3A_162 {
          %add3A_175 = arith.constant 2 : i32
          %add3A_176 = arith.addi %mul3A_126, %add3A_175 : i32
          %dma_start3A_177 = arith.constant 0 : i32
          %dma_start3A_178 = tpu.memref_slice %arg6[%add3A_176, %dma_start3A_177] : memref<32x128xi32, #tpu.memory_space<vmem>> -> memref<1x128xi32, #tpu.memory_space<vmem>>
          %dma_start3A_179 = tpu.memref_squeeze %dma_start3A_178 : memref<1x128xi32, #tpu.memory_space<vmem>> -> memref<128xi32, #tpu.memory_space<vmem>>
          %dma_start3A_180 = arith.constant 0 : i32
          %dma_start3A_181 = arith.constant 0 : i32
          %dma_start3A_182 = tpu.memref_slice %arg2[%dma_start3A_180, %dma_start3A_181] : memref<10240x128xf32, #tpu.memory_space<hbm>> -> memref<10240x128xf32, #tpu.memory_space<hbm>>
          tpu.enqueue_indirect_dma source(%dma_start3A_182 : memref<10240x128xf32, #tpu.memory_space<hbm>>) target(%arg8 : memref<128x128xf32, #tpu.memory_space<vmem>>) offsets(%dma_start3A_179 : memref<128xi32, #tpu.memory_space<vmem>>) semaphore(%arg11 : memref<!tpu.dma_semaphore, #tpu.memory_space<semaphore_mem>>)
        } else {
        }
        %dma_start3A_163 = arith.constant 0 : i32
        %dma_start3A_164 = tpu.memref_slice %arg7[%add3A_130, %dma_start3A_163] : memref<32x128xi32, #tpu.memory_space<vmem>> -> memref<1x128xi32, #tpu.memory_space<vmem>>
        %dma_start3A_165 = tpu.memref_squeeze %dma_start3A_164 : memref<1x128xi32, #tpu.memory_space<vmem>> -> memref<128xi32, #tpu.memory_space<vmem>>
        %dma_start3A_166 = arith.constant 0 : i32
        %dma_start3A_167 = arith.constant 0 : i32
        %dma_start3A_168 = tpu.memref_slice %arg10[%dma_start3A_166, %dma_start3A_167] : memref<10240x128xf32, #tpu.memory_space<vmem_shared>> -> memref<10240x128xf32, #tpu.memory_space<vmem_shared>>
        tpu.enqueue_indirect_dma source(%arg9 : memref<128x128xf32, #tpu.memory_space<vmem>>) target(%dma_start3A_168 : memref<10240x128xf32, #tpu.memory_space<vmem_shared>>) offsets(%dma_start3A_165 : memref<128xi32, #tpu.memory_space<vmem>>) semaphore(%arg14 : memref<!tpu.dma_semaphore, #tpu.memory_space<semaphore_mem>>) {add = true}
        %dma_wait3A_169 = arith.constant 0 : i32
        %dma_wait3A_170 = tpu.memref_slice %arg7[%add3A_130, %dma_wait3A_169] : memref<32x128xi32, #tpu.memory_space<vmem>> -> memref<1x128xi32, #tpu.memory_space<vmem>>
        %dma_wait3A_171 = tpu.memref_squeeze %dma_wait3A_170 : memref<1x128xi32, #tpu.memory_space<vmem>> -> memref<128xi32, #tpu.memory_space<vmem>>
        %dma_wait3A_172 = arith.constant 0 : i32
        %dma_wait3A_173 = arith.constant 0 : i32
        %dma_wait3A_174 = tpu.memref_slice %arg10[%dma_wait3A_172, %dma_wait3A_173] : memref<10240x128xf32, #tpu.memory_space<vmem_shared>> -> memref<10240x128xf32, #tpu.memory_space<vmem_shared>>
        tpu.wait_indirect_dma semaphore(%arg14 : memref<!tpu.dma_semaphore, #tpu.memory_space<semaphore_mem>>) src(%arg9 : memref<128x128xf32, #tpu.memory_space<vmem>>) dst(%dma_wait3A_174 : memref<10240x128xf32, #tpu.memory_space<vmem_shared>>)
      }
      %scan3A_123 = arith.constant 16 : i32
    }
    %while3A_101 = arith.constant 1 : i32
    scf.for %while3A_107 = %while3A_99 to %while3A_95 step %while3A_101  : i32 {
      %mul3A_108 = arith.constant 32 : i32
      %mul3A_109 = arith.muli %while3A_107, %mul3A_108 : i32
      %add3A_110 = arith.addi %select_n3A_92, %mul3A_109 : i32
      "tpu.region"() ({
        %run_scoped3A = tpu.sem_alloc : memref<!tpu.dma_semaphore, #tpu.memory_space<semaphore_mem>>
        %dma_start3A_124 = arith.constant 0 : i32
        %dma_start3A_125 = tpu.memref_slice %arg3[%add3A_110, %dma_start3A_124] : memref<2560x128xi32, #tpu.memory_space<hbm>> -> memref<32x128xi32, #tpu.memory_space<hbm>>
        %dma_start3A_126 = arith.constant 0 : i32
        %dma_start3A_127 = tpu.memref_slice %arg3[%add3A_110, %dma_start3A_126] : memref<2560x128xi32, #tpu.memory_space<hbm>> -> memref<32x128xi32, #tpu.memory_space<hbm>>
        tpu.enqueue_dma source(%dma_start3A_127 : memref<32x128xi32, #tpu.memory_space<hbm>>) target(%arg6 : memref<32x128xi32, #tpu.memory_space<vmem>>) target_semaphore(%run_scoped3A : memref<!tpu.dma_semaphore, #tpu.memory_space<semaphore_mem>>)
        %dma_wait3A_128 = arith.constant 0 : i32
        %dma_wait3A_129 = tpu.memref_slice %arg3[%add3A_110, %dma_wait3A_128] : memref<2560x128xi32, #tpu.memory_space<hbm>> -> memref<32x128xi32, #tpu.memory_space<hbm>>
        %dma_wait3A_130 = arith.constant 0 : i32
        %dma_wait3A_131 = tpu.memref_slice %arg3[%add3A_110, %dma_wait3A_130] : memref<2560x128xi32, #tpu.memory_space<hbm>> -> memref<32x128xi32, #tpu.memory_space<hbm>>
        tpu.wait_dma2 semaphore(%run_scoped3A : memref<!tpu.dma_semaphore, #tpu.memory_space<semaphore_mem>>) src(%dma_wait3A_131 : memref<32x128xi32, #tpu.memory_space<hbm>>) dst(%arg6 : memref<32x128xi32, #tpu.memory_space<vmem>>)
        tpu.yield
      }) : () -> ()
      "tpu.region"() ({
        %run_scoped3A = tpu.sem_alloc : memref<!tpu.dma_semaphore, #tpu.memory_space<semaphore_mem>>
        %dma_start3A_124 = arith.constant 0 : i32
        %dma_start3A_125 = tpu.memref_slice %arg4[%add3A_110, %dma_start3A_124] : memref<2560x128xi32, #tpu.memory_space<hbm>> -> memref<32x128xi32, #tpu.memory_space<hbm>>
        %dma_start3A_126 = arith.constant 0 : i32
        %dma_start3A_127 = tpu.memref_slice %arg4[%add3A_110, %dma_start3A_126] : memref<2560x128xi32, #tpu.memory_space<hbm>> -> memref<32x128xi32, #tpu.memory_space<hbm>>
        tpu.enqueue_dma source(%dma_start3A_127 : memref<32x128xi32, #tpu.memory_space<hbm>>) target(%arg7 : memref<32x128xi32, #tpu.memory_space<vmem>>) target_semaphore(%run_scoped3A : memref<!tpu.dma_semaphore, #tpu.memory_space<semaphore_mem>>)
        %dma_wait3A_128 = arith.constant 0 : i32
        %dma_wait3A_129 = tpu.memref_slice %arg4[%add3A_110, %dma_wait3A_128] : memref<2560x128xi32, #tpu.memory_space<hbm>> -> memref<32x128xi32, #tpu.memory_space<hbm>>
        %dma_wait3A_130 = arith.constant 0 : i32
        %dma_wait3A_131 = tpu.memref_slice %arg4[%add3A_110, %dma_wait3A_130] : memref<2560x128xi32, #tpu.memory_space<hbm>> -> memref<32x128xi32, #tpu.memory_space<hbm>>
        tpu.wait_dma2 semaphore(%run_scoped3A : memref<!tpu.dma_semaphore, #tpu.memory_space<semaphore_mem>>) src(%dma_wait3A_131 : memref<32x128xi32, #tpu.memory_space<hbm>>) dst(%arg7 : memref<32x128xi32, #tpu.memory_space<vmem>>)
        tpu.yield
      }) : () -> ()
      %dma_start3A_111 = arith.constant 0 : i32
      %dma_start3A_112 = arith.constant 0 : i32
      %dma_start3A_113 = tpu.memref_slice %arg6[%dma_start3A_111, %dma_start3A_112] : memref<32x128xi32, #tpu.memory_space<vmem>> -> memref<1x128xi32, #tpu.memory_space<vmem>>
      %dma_start3A_114 = tpu.memref_squeeze %dma_start3A_113 : memref<1x128xi32, #tpu.memory_space<vmem>> -> memref<128xi32, #tpu.memory_space<vmem>>
      %dma_start3A_115 = arith.constant 0 : i32
      %dma_start3A_116 = arith.constant 0 : i32
      %dma_start3A_117 = tpu.memref_slice %arg2[%dma_start3A_115, %dma_start3A_116] : memref<10240x128xf32, #tpu.memory_space<hbm>> -> memref<10240x128xf32, #tpu.memory_space<hbm>>
      tpu.enqueue_indirect_dma source(%dma_start3A_117 : memref<10240x128xf32, #tpu.memory_space<hbm>>) target(%arg8 : memref<128x128xf32, #tpu.memory_space<vmem>>) offsets(%dma_start3A_114 : memref<128xi32, #tpu.memory_space<vmem>>) semaphore(%arg11 : memref<!tpu.dma_semaphore, #tpu.memory_space<semaphore_mem>>)
      %scan3A_118 = arith.constant 0 : i32
      %scan3A_119 = arith.constant 0 : i32
      %scan3A_120 = arith.constant 16 : i32
      %scan3A_121 = arith.addi %scan3A_119, %scan3A_120 : i32
      %scan3A_122 = arith.constant 1 : i32
      scf.for %scan3A_124 = %scan3A_119 to %scan3A_121 step %scan3A_122  : i32 {
        %mul3A_125 = arith.constant 2 : i32
        %mul3A_126 = arith.muli %mul3A_125, %scan3A_124 : i32
        %mul3A_127 = arith.constant 2 : i32
        %mul3A_128 = arith.muli %mul3A_127, %scan3A_124 : i32
        %add3A_129 = arith.constant 1 : i32
        %add3A_130 = arith.addi %mul3A_128, %add3A_129 : i32
        %dma_wait3A_131 = arith.constant 0 : i32
        %dma_wait3A_132 = tpu.memref_slice %arg6[%mul3A_126, %dma_wait3A_131] : memref<32x128xi32, #tpu.memory_space<vmem>> -> memref<1x128xi32, #tpu.memory_space<vmem>>
        %dma_wait3A_133 = tpu.memref_squeeze %dma_wait3A_132 : memref<1x128xi32, #tpu.memory_space<vmem>> -> memref<128xi32, #tpu.memory_space<vmem>>
        %dma_wait3A_134 = arith.constant 0 : i32
        %dma_wait3A_135 = arith.constant 0 : i32
        %dma_wait3A_136 = tpu.memref_slice %arg2[%dma_wait3A_134, %dma_wait3A_135] : memref<10240x128xf32, #tpu.memory_space<hbm>> -> memref<10240x128xf32, #tpu.memory_space<hbm>>
        tpu.wait_indirect_dma semaphore(%arg11 : memref<!tpu.dma_semaphore, #tpu.memory_space<semaphore_mem>>) src(%dma_wait3A_136 : memref<10240x128xf32, #tpu.memory_space<hbm>>) dst(%arg8 : memref<128x128xf32, #tpu.memory_space<vmem>>)
        %dma_start3A_137 = arith.constant 0 : i32
        %dma_start3A_138 = tpu.memref_slice %arg6[%add3A_130, %dma_start3A_137] : memref<32x128xi32, #tpu.memory_space<vmem>> -> memref<1x128xi32, #tpu.memory_space<vmem>>
        %dma_start3A_139 = tpu.memref_squeeze %dma_start3A_138 : memref<1x128xi32, #tpu.memory_space<vmem>> -> memref<128xi32, #tpu.memory_space<vmem>>
        %dma_start3A_140 = arith.constant 0 : i32
        %dma_start3A_141 = arith.constant 0 : i32
        %dma_start3A_142 = tpu.memref_slice %arg2[%dma_start3A_140, %dma_start3A_141] : memref<10240x128xf32, #tpu.memory_space<hbm>> -> memref<10240x128xf32, #tpu.memory_space<hbm>>
        tpu.enqueue_indirect_dma source(%dma_start3A_142 : memref<10240x128xf32, #tpu.memory_space<hbm>>) target(%arg9 : memref<128x128xf32, #tpu.memory_space<vmem>>) offsets(%dma_start3A_139 : memref<128xi32, #tpu.memory_space<vmem>>) semaphore(%arg12 : memref<!tpu.dma_semaphore, #tpu.memory_space<semaphore_mem>>)
        %dma_start3A_143 = arith.constant 0 : i32
        %dma_start3A_144 = tpu.memref_slice %arg7[%mul3A_126, %dma_start3A_143] : memref<32x128xi32, #tpu.memory_space<vmem>> -> memref<1x128xi32, #tpu.memory_space<vmem>>
        %dma_start3A_145 = tpu.memref_squeeze %dma_start3A_144 : memref<1x128xi32, #tpu.memory_space<vmem>> -> memref<128xi32, #tpu.memory_space<vmem>>
        %dma_start3A_146 = arith.constant 0 : i32
        %dma_start3A_147 = arith.constant 0 : i32
        %dma_start3A_148 = tpu.memref_slice %arg10[%dma_start3A_146, %dma_start3A_147] : memref<10240x128xf32, #tpu.memory_space<vmem_shared>> -> memref<10240x128xf32, #tpu.memory_space<vmem_shared>>
        tpu.enqueue_indirect_dma source(%arg8 : memref<128x128xf32, #tpu.memory_space<vmem>>) target(%dma_start3A_148 : memref<10240x128xf32, #tpu.memory_space<vmem_shared>>) offsets(%dma_start3A_145 : memref<128xi32, #tpu.memory_space<vmem>>) semaphore(%arg13 : memref<!tpu.dma_semaphore, #tpu.memory_space<semaphore_mem>>) {add = true}
        %dma_wait3A_149 = arith.constant 0 : i32
        %dma_wait3A_150 = tpu.memref_slice %arg6[%add3A_130, %dma_wait3A_149] : memref<32x128xi32, #tpu.memory_space<vmem>> -> memref<1x128xi32, #tpu.memory_space<vmem>>
        %dma_wait3A_151 = tpu.memref_squeeze %dma_wait3A_150 : memref<1x128xi32, #tpu.memory_space<vmem>> -> memref<128xi32, #tpu.memory_space<vmem>>
        %dma_wait3A_152 = arith.constant 0 : i32
        %dma_wait3A_153 = arith.constant 0 : i32
        %dma_wait3A_154 = tpu.memref_slice %arg2[%dma_wait3A_152, %dma_wait3A_153] : memref<10240x128xf32, #tpu.memory_space<hbm>> -> memref<10240x128xf32, #tpu.memory_space<hbm>>
        tpu.wait_indirect_dma semaphore(%arg12 : memref<!tpu.dma_semaphore, #tpu.memory_space<semaphore_mem>>) src(%dma_wait3A_154 : memref<10240x128xf32, #tpu.memory_space<hbm>>) dst(%arg9 : memref<128x128xf32, #tpu.memory_space<vmem>>)
        %dma_wait3A_155 = arith.constant 0 : i32
        %dma_wait3A_156 = tpu.memref_slice %arg7[%mul3A_126, %dma_wait3A_155] : memref<32x128xi32, #tpu.memory_space<vmem>> -> memref<1x128xi32, #tpu.memory_space<vmem>>
        %dma_wait3A_157 = tpu.memref_squeeze %dma_wait3A_156 : memref<1x128xi32, #tpu.memory_space<vmem>> -> memref<128xi32, #tpu.memory_space<vmem>>
        %dma_wait3A_158 = arith.constant 0 : i32
        %dma_wait3A_159 = arith.constant 0 : i32
        %dma_wait3A_160 = tpu.memref_slice %arg10[%dma_wait3A_158, %dma_wait3A_159] : memref<10240x128xf32, #tpu.memory_space<vmem_shared>> -> memref<10240x128xf32, #tpu.memory_space<vmem_shared>>
        tpu.wait_indirect_dma semaphore(%arg13 : memref<!tpu.dma_semaphore, #tpu.memory_space<semaphore_mem>>) src(%arg8 : memref<128x128xf32, #tpu.memory_space<vmem>>) dst(%dma_wait3A_160 : memref<10240x128xf32, #tpu.memory_space<vmem_shared>>)
        %lt3A = arith.constant 15 : i32
        %lt3A_161 = arith.cmpi slt, %scan3A_124, %lt3A : i32
        %convert_element_type3A = arith.extui %lt3A_161 : i1 to i32
        %cond3A = arith.constant 0 : i32
        %cond3A_162 = arith.cmpi ne, %convert_element_type3A, %cond3A : i32
        scf.if %cond3A_162 {
          %add3A_175 = arith.constant 2 : i32
          %add3A_176 = arith.addi %mul3A_126, %add3A_175 : i32
          %dma_start3A_177 = arith.constant 0 : i32
          %dma_start3A_178 = tpu.memref_slice %arg6[%add3A_176, %dma_start3A_177] : memref<32x128xi32, #tpu.memory_space<vmem>> -> memref<1x128xi32, #tpu.memory_space<vmem>>
          %dma_start3A_179 = tpu.memref_squeeze %dma_start3A_178 : memref<1x128xi32, #tpu.memory_space<vmem>> -> memref<128xi32, #tpu.memory_space<vmem>>
          %dma_start3A_180 = arith.constant 0 : i32
          %dma_start3A_181 = arith.constant 0 : i32
          %dma_start3A_182 = tpu.memref_slice %arg2[%dma_start3A_180, %dma_start3A_181] : memref<10240x128xf32, #tpu.memory_space<hbm>> -> memref<10240x128xf32, #tpu.memory_space<hbm>>
          tpu.enqueue_indirect_dma source(%dma_start3A_182 : memref<10240x128xf32, #tpu.memory_space<hbm>>) target(%arg8 : memref<128x128xf32, #tpu.memory_space<vmem>>) offsets(%dma_start3A_179 : memref<128xi32, #tpu.memory_space<vmem>>) semaphore(%arg11 : memref<!tpu.dma_semaphore, #tpu.memory_space<semaphore_mem>>)
        } else {
        }
        %dma_start3A_163 = arith.constant 0 : i32
        %dma_start3A_164 = tpu.memref_slice %arg7[%add3A_130, %dma_start3A_163] : memref<32x128xi32, #tpu.memory_space<vmem>> -> memref<1x128xi32, #tpu.memory_space<vmem>>
        %dma_start3A_165 = tpu.memref_squeeze %dma_start3A_164 : memref<1x128xi32, #tpu.memory_space<vmem>> -> memref<128xi32, #tpu.memory_space<vmem>>
        %dma_start3A_166 = arith.constant 0 : i32
        %dma_start3A_167 = arith.constant 0 : i32
        %dma_start3A_168 = tpu.memref_slice %arg10[%dma_start3A_166, %dma_start3A_167] : memref<10240x128xf32, #tpu.memory_space<vmem_shared>> -> memref<10240x128xf32, #tpu.memory_space<vmem_shared>>
        tpu.enqueue_indirect_dma source(%arg9 : memref<128x128xf32, #tpu.memory_space<vmem>>) target(%dma_start3A_168 : memref<10240x128xf32, #tpu.memory_space<vmem_shared>>) offsets(%dma_start3A_165 : memref<128xi32, #tpu.memory_space<vmem>>) semaphore(%arg14 : memref<!tpu.dma_semaphore, #tpu.memory_space<semaphore_mem>>) {add = true}
        %dma_wait3A_169 = arith.constant 0 : i32
        %dma_wait3A_170 = tpu.memref_slice %arg7[%add3A_130, %dma_wait3A_169] : memref<32x128xi32, #tpu.memory_space<vmem>> -> memref<1x128xi32, #tpu.memory_space<vmem>>
        %dma_wait3A_171 = tpu.memref_squeeze %dma_wait3A_170 : memref<1x128xi32, #tpu.memory_space<vmem>> -> memref<128xi32, #tpu.memory_space<vmem>>
        %dma_wait3A_172 = arith.constant 0 : i32
        %dma_wait3A_173 = arith.constant 0 : i32
        %dma_wait3A_174 = tpu.memref_slice %arg10[%dma_wait3A_172, %dma_wait3A_173] : memref<10240x128xf32, #tpu.memory_space<vmem_shared>> -> memref<10240x128xf32, #tpu.memory_space<vmem_shared>>
        tpu.wait_indirect_dma semaphore(%arg14 : memref<!tpu.dma_semaphore, #tpu.memory_space<semaphore_mem>>) src(%arg9 : memref<128x128xf32, #tpu.memory_space<vmem>>) dst(%dma_wait3A_174 : memref<10240x128xf32, #tpu.memory_space<vmem_shared>>)
      }
      %scan3A_123 = arith.constant 16 : i32
    }
    %barrier3A_102 = arith.constant 0 : index
    tpu.barrier barrier_id(%barrier3A_102)
    %mul3A_103 = arith.constant 640 : i32
    %mul3A_104 = arith.muli %arg1, %mul3A_103 : i32
    %mul3A_105 = arith.constant 640 : i32
    %mul3A_106 = arith.muli %arg1, %mul3A_105 : i32
    "tpu.region"() ({
      %run_scoped3A = tpu.sem_alloc : memref<!tpu.dma_semaphore, #tpu.memory_space<semaphore_mem>>
      %dma_start3A_107 = arith.constant 0 : i32
      %dma_start3A_108 = tpu.memref_slice %arg5[%arg0, %mul3A_106, %dma_start3A_107] : memref<2x10240x128xf32, #tpu.memory_space<hbm>> -> memref<1x640x128xf32, #tpu.memory_space<hbm>>
      %dma_start3A_109 = tpu.memref_squeeze %dma_start3A_108 : memref<1x640x128xf32, #tpu.memory_space<hbm>> -> memref<640x128xf32, #tpu.memory_space<hbm>>
      %dma_start3A_110 = arith.constant 0 : i32
      %dma_start3A_111 = tpu.memref_slice %arg10[%mul3A_104, %dma_start3A_110] : memref<10240x128xf32, #tpu.memory_space<vmem_shared>> -> memref<640x128xf32, #tpu.memory_space<vmem_shared>>
      tpu.enqueue_dma source(%dma_start3A_111 : memref<640x128xf32, #tpu.memory_space<vmem_shared>>) target(%dma_start3A_109 : memref<640x128xf32, #tpu.memory_space<hbm>>) target_semaphore(%run_scoped3A : memref<!tpu.dma_semaphore, #tpu.memory_space<semaphore_mem>>)
      %dma_wait3A_112 = arith.constant 0 : i32
      %dma_wait3A_113 = tpu.memref_slice %arg5[%arg0, %mul3A_106, %dma_wait3A_112] : memref<2x10240x128xf32, #tpu.memory_space<hbm>> -> memref<1x640x128xf32, #tpu.memory_space<hbm>>
      %dma_wait3A_114 = tpu.memref_squeeze %dma_wait3A_113 : memref<1x640x128xf32, #tpu.memory_space<hbm>> -> memref<640x128xf32, #tpu.memory_space<hbm>>
      %dma_wait3A_115 = arith.constant 0 : i32
      %dma_wait3A_116 = tpu.memref_slice %arg10[%mul3A_104, %dma_wait3A_115] : memref<10240x128xf32, #tpu.memory_space<vmem_shared>> -> memref<640x128xf32, #tpu.memory_space<vmem_shared>>
      tpu.wait_dma2 semaphore(%run_scoped3A : memref<!tpu.dma_semaphore, #tpu.memory_space<semaphore_mem>>) src(%dma_wait3A_116 : memref<640x128xf32, #tpu.memory_space<vmem_shared>>) dst(%dma_wait3A_114 : memref<640x128xf32, #tpu.memory_space<hbm>>)
      tpu.yield
    }) : () -> ()
    return
  }
}

module attributes {stable_mosaic.version = 14 : i64} {
  func.func @_stage1_body(%arg0: i32, %arg1: memref<1024x128xf32, #tpu.memory_space<vmem>>, %arg2: memref<128x128xf32, #tpu.memory_space<vmem>>, %arg3: memref<1024x32xf32, #tpu.memory_space<vmem>>, %arg4: memref<1024x128xf32, #tpu.memory_space<vmem>>) attributes {dimension_semantics = [#tpu.dimension_semantics<arbitrary>], iteration_bounds = array<i64: 10>, scalar_prefetch = 0 : i64, scratch_operands = 0 : i64, tpu.core_type = #tpu.core_type<tc>, window_params = [{transform_indices = @transform_0, window_bounds = array<i64: 1024, 128>}, {pipeline_mode = #tpu.pipeline_mode<synchronous>, transform_indices = @transform_1, window_bounds = array<i64: 128, 128>}, {transform_indices = @transform_2, window_bounds = array<i64: 1024, 32>}, {transform_indices = @transform_3, window_bounds = array<i64: 1024, 128>}]} {
    %get3A = arith.constant 0 : index
    %get3A_0 = arith.constant 0 : index
    %get3A_1 = vector.load %arg3[%get3A, %get3A_0] : memref<1024x32xf32, #tpu.memory_space<vmem>>, vector<1024x32xf32>
    %reduce_sum3A = arith.constant dense<0.000000e+00> : vector<1024xf32>
    %reduce_sum3A_2 = vector.multi_reduction <add>, %get3A_1, %reduce_sum3A [1] : vector<1024x32xf32> to vector<1024xf32>
    %broadcast_in_dim3A = vector.shape_cast %reduce_sum3A_2 : vector<1024xf32> to vector<1024x1xf32>
    %add3A = arith.constant 1.000000e+00 : f32
    %add3A_3 = vector.broadcast %add3A : f32 to vector<1024x1xf32>
    %add3A_4 = arith.addf %broadcast_in_dim3A, %add3A_3 : vector<1024x1xf32>
    %rsqrt3A = math.rsqrt %add3A_4 : vector<1024x1xf32>
    %get3A_5 = arith.constant 0 : index
    %get3A_6 = arith.constant 0 : index
    %get3A_7 = vector.load %arg1[%get3A_5, %get3A_6] : memref<1024x128xf32, #tpu.memory_space<vmem>>, vector<1024x128xf32>
    %get3A_8 = arith.constant 0 : index
    %get3A_9 = arith.constant 0 : index
    %get3A_10 = vector.load %arg2[%get3A_8, %get3A_9] : memref<128x128xf32, #tpu.memory_space<vmem>>, vector<128x128xf32>
    %dot_general3A = arith.constant dense<0.000000e+00> : vector<1024x128xf32>
    %dot_general3A_11 = tpu.matmul %get3A_7, %get3A_10, %dot_general3A {dimension_numbers = #tpu.dot_dimension_numbers<[1], [0], [0], [1], [0, 0, 1, 1], [], []>, transpose_lhs_hint = false} : vector<1024x128xf32>, vector<128x128xf32>, vector<1024x128xf32> -> vector<1024x128xf32>
    %mul3A = vector.broadcast %rsqrt3A : vector<1024x1xf32> to vector<1024x128xf32>
    %mul3A_12 = arith.mulf %dot_general3A_11, %mul3A : vector<1024x128xf32>
    %swap3A = arith.constant 0 : index
    %swap3A_13 = arith.constant 0 : index
    %swap3A_14 = vector.load %arg4[%swap3A, %swap3A_13] : memref<1024x128xf32, #tpu.memory_space<vmem>>, vector<1024x128xf32>
    tpu.vector_store %arg4[%swap3A, %swap3A_13], %mul3A_12 {strides = array<i32>} : memref<1024x128xf32, #tpu.memory_space<vmem>>, vector<1024x128xf32>,
    return
  }
  func.func @transform_0(%arg0: i32) -> (i32, i32) {
    %c0_i32 = arith.constant 0 : i32
    %c0_i32_0 = arith.constant 0 : i32
    return %arg0, %c0_i32 : i32, i32
  }
  func.func @transform_1(%arg0: i32) -> (i32, i32) {
    %c0_i32 = arith.constant 0 : i32
    %c0_i32_0 = arith.constant 0 : i32
    %c0_i32_1 = arith.constant 0 : i32
    return %c0_i32, %c0_i32_0 : i32, i32
  }
  func.func @transform_2(%arg0: i32) -> (i32, i32) {
    %c0_i32 = arith.constant 0 : i32
    %c0_i32_0 = arith.constant 0 : i32
    return %arg0, %c0_i32 : i32, i32
  }
  func.func @transform_3(%arg0: i32) -> (i32, i32) {
    %c0_i32 = arith.constant 0 : i32
    %c0_i32_0 = arith.constant 0 : i32
    return %arg0, %c0_i32 : i32, i32
  }
}

module attributes {stable_mosaic.version = 14 : i64} {
  func.func @_stage2_body(%arg0: i32, %arg1: memref<2x1024x128xf32, #tpu.memory_space<vmem>>, %arg2: memref<1024x128xf32, #tpu.memory_space<vmem>>, %arg3: memref<1024x32xf32, #tpu.memory_space<vmem>>, %arg4: memref<1x128xf32, #tpu.memory_space<vmem>>, %arg5: memref<128x128xf32, #tpu.memory_space<vmem>>, %arg6: memref<1024x128xf32, #tpu.memory_space<vmem>>) attributes {dimension_semantics = [#tpu.dimension_semantics<arbitrary>], iteration_bounds = array<i64: 10>, scalar_prefetch = 0 : i64, scratch_operands = 0 : i64, tpu.core_type = #tpu.core_type<tc>, window_params = [{transform_indices = @transform_0, window_bounds = array<i64: 2, 1024, 128>}, {transform_indices = @transform_1, window_bounds = array<i64: 1024, 128>}, {transform_indices = @transform_2, window_bounds = array<i64: 1024, 32>}, {pipeline_mode = #tpu.pipeline_mode<synchronous>, transform_indices = @transform_3, window_bounds = array<i64: 1, 128>}, {pipeline_mode = #tpu.pipeline_mode<synchronous>, transform_indices = @transform_4, window_bounds = array<i64: 128, 128>}, {transform_indices = @transform_5, window_bounds = array<i64: 1024, 128>}]} {
    %get3A = arith.constant 0 : index
    %get3A_0 = arith.constant 0 : index
    %get3A_1 = vector.load %arg3[%get3A, %get3A_0] : memref<1024x32xf32, #tpu.memory_space<vmem>>, vector<1024x32xf32>
    %reduce_sum3A = arith.constant dense<0.000000e+00> : vector<1024xf32>
    %reduce_sum3A_2 = vector.multi_reduction <add>, %get3A_1, %reduce_sum3A [1] : vector<1024x32xf32> to vector<1024xf32>
    %broadcast_in_dim3A = vector.shape_cast %reduce_sum3A_2 : vector<1024xf32> to vector<1024x1xf32>
    %add3A = arith.constant 1.000000e+00 : f32
    %add3A_3 = vector.broadcast %add3A : f32 to vector<1024x1xf32>
    %add3A_4 = arith.addf %broadcast_in_dim3A, %add3A_3 : vector<1024x1xf32>
    %rsqrt3A = math.rsqrt %add3A_4 : vector<1024x1xf32>
    %get3A_5 = arith.constant 0 : index
    %get3A_6 = arith.constant 0 : index
    %get3A_7 = arith.constant 0 : index
    %get3A_8 = vector.load %arg1[%get3A_5, %get3A_6, %get3A_7] : memref<2x1024x128xf32, #tpu.memory_space<vmem>>, vector<1x1024x128xf32>
    %get3A_9 = vector.shape_cast %get3A_8 : vector<1x1024x128xf32> to vector<1024x128xf32>
    %get3A_10 = arith.constant 1 : index
    %get3A_11 = arith.constant 0 : index
    %get3A_12 = arith.constant 0 : index
    %get3A_13 = vector.load %arg1[%get3A_10, %get3A_11, %get3A_12] : memref<2x1024x128xf32, #tpu.memory_space<vmem>>, vector<1x1024x128xf32>
    %get3A_14 = vector.shape_cast %get3A_13 : vector<1x1024x128xf32> to vector<1024x128xf32>
    %add3A_15 = arith.addf %get3A_9, %get3A_14 : vector<1024x128xf32>
    %get3A_16 = arith.constant 0 : index
    %get3A_17 = arith.constant 0 : index
    %get3A_18 = vector.load %arg2[%get3A_16, %get3A_17] : memref<1024x128xf32, #tpu.memory_space<vmem>>, vector<1024x128xf32>
    %add3A_19 = arith.addf %add3A_15, %get3A_18 : vector<1024x128xf32>
    %mul3A = vector.broadcast %rsqrt3A : vector<1024x1xf32> to vector<1024x128xf32>
    %mul3A_20 = arith.mulf %mul3A, %add3A_19 : vector<1024x128xf32>
    %get3A_21 = arith.constant 0 : index
    %get3A_22 = arith.constant 0 : index
    %get3A_23 = vector.load %arg4[%get3A_21, %get3A_22] : memref<1x128xf32, #tpu.memory_space<vmem>>, vector<1x128xf32>
    %add3A_24 = vector.broadcast %get3A_23 : vector<1x128xf32> to vector<1024x128xf32>
    %add3A_25 = arith.addf %mul3A_20, %add3A_24 : vector<1024x128xf32>
    %max3A = arith.constant 0.000000e+00 : f32
    %max3A_26 = vector.broadcast %max3A : f32 to vector<1024x128xf32>
    %max3A_27 = arith.maximumf %add3A_25, %max3A_26 : vector<1024x128xf32>
    %get3A_28 = arith.constant 0 : index
    %get3A_29 = arith.constant 0 : index
    %get3A_30 = vector.load %arg5[%get3A_28, %get3A_29] : memref<128x128xf32, #tpu.memory_space<vmem>>, vector<128x128xf32>
    %dot_general3A = arith.constant dense<0.000000e+00> : vector<1024x128xf32>
    %dot_general3A_31 = tpu.matmul %max3A_27, %get3A_30, %dot_general3A {dimension_numbers = #tpu.dot_dimension_numbers<[1], [0], [0], [1], [0, 0, 1, 1], [], []>, transpose_lhs_hint = false} : vector<1024x128xf32>, vector<128x128xf32>, vector<1024x128xf32> -> vector<1024x128xf32>
    %mul3A_32 = vector.broadcast %rsqrt3A : vector<1024x1xf32> to vector<1024x128xf32>
    %mul3A_33 = arith.mulf %dot_general3A_31, %mul3A_32 : vector<1024x128xf32>
    %swap3A = arith.constant 0 : index
    %swap3A_34 = arith.constant 0 : index
    %swap3A_35 = vector.load %arg6[%swap3A, %swap3A_34] : memref<1024x128xf32, #tpu.memory_space<vmem>>, vector<1024x128xf32>
    tpu.vector_store %arg6[%swap3A, %swap3A_34], %mul3A_33 {strides = array<i32>} : memref<1024x128xf32, #tpu.memory_space<vmem>>, vector<1024x128xf32>,
    return
  }
  func.func @transform_0(%arg0: i32) -> (i32, i32, i32) {
    %c0_i32 = arith.constant 0 : i32
    %c0_i32_0 = arith.constant 0 : i32
    %c0_i32_1 = arith.constant 0 : i32
    return %c0_i32, %arg0, %c0_i32_0 : i32, i32, i32
  }
  func.func @transform_1(%arg0: i32) -> (i32, i32) {
    %c0_i32 = arith.constant 0 : i32
    %c0_i32_0 = arith.constant 0 : i32
    return %arg0, %c0_i32 : i32, i32
  }
  func.func @transform_2(%arg0: i32) -> (i32, i32) {
    %c0_i32 = arith.constant 0 : i32
    %c0_i32_0 = arith.constant 0 : i32
    return %arg0, %c0_i32 : i32, i32
  }
  func.func @transform_3(%arg0: i32) -> (i32, i32) {
    %c0_i32 = arith.constant 0 : i32
    %c0_i32_0 = arith.constant 0 : i32
    %c0_i32_1 = arith.constant 0 : i32
    return %c0_i32, %c0_i32_0 : i32, i32
  }
  func.func @transform_4(%arg0: i32) -> (i32, i32) {
    %c0_i32 = arith.constant 0 : i32
    %c0_i32_0 = arith.constant 0 : i32
    %c0_i32_1 = arith.constant 0 : i32
    return %c0_i32, %c0_i32_0 : i32, i32
  }
  func.func @transform_5(%arg0: i32) -> (i32, i32) {
    %c0_i32 = arith.constant 0 : i32
    %c0_i32_0 = arith.constant 0 : i32
    return %arg0, %c0_i32 : i32, i32
  }
}

module attributes {stable_mosaic.version = 14 : i64} {
  func.func @_stage3_body(%arg0: i32, %arg1: memref<2x1024x128xf32, #tpu.memory_space<vmem>>, %arg2: memref<1024x128xf32, #tpu.memory_space<vmem>>, %arg3: memref<1024x32xf32, #tpu.memory_space<vmem>>, %arg4: memref<1x128xf32, #tpu.memory_space<vmem>>, %arg5: memref<1024x128xf32, #tpu.memory_space<vmem>>) attributes {dimension_semantics = [#tpu.dimension_semantics<arbitrary>], iteration_bounds = array<i64: 10>, scalar_prefetch = 0 : i64, scratch_operands = 0 : i64, tpu.core_type = #tpu.core_type<tc>, window_params = [{transform_indices = @transform_0, window_bounds = array<i64: 2, 1024, 128>}, {transform_indices = @transform_1, window_bounds = array<i64: 1024, 128>}, {transform_indices = @transform_2, window_bounds = array<i64: 1024, 32>}, {pipeline_mode = #tpu.pipeline_mode<synchronous>, transform_indices = @transform_3, window_bounds = array<i64: 1, 128>}, {transform_indices = @transform_4, window_bounds = array<i64: 1024, 128>}]} {
    %get3A = arith.constant 0 : index
    %get3A_0 = arith.constant 0 : index
    %get3A_1 = vector.load %arg3[%get3A, %get3A_0] : memref<1024x32xf32, #tpu.memory_space<vmem>>, vector<1024x32xf32>
    %reduce_sum3A = arith.constant dense<0.000000e+00> : vector<1024xf32>
    %reduce_sum3A_2 = vector.multi_reduction <add>, %get3A_1, %reduce_sum3A [1] : vector<1024x32xf32> to vector<1024xf32>
    %broadcast_in_dim3A = vector.shape_cast %reduce_sum3A_2 : vector<1024xf32> to vector<1024x1xf32>
    %add3A = arith.constant 1.000000e+00 : f32
    %add3A_3 = vector.broadcast %add3A : f32 to vector<1024x1xf32>
    %add3A_4 = arith.addf %broadcast_in_dim3A, %add3A_3 : vector<1024x1xf32>
    %rsqrt3A = math.rsqrt %add3A_4 : vector<1024x1xf32>
    %get3A_5 = arith.constant 0 : index
    %get3A_6 = arith.constant 0 : index
    %get3A_7 = arith.constant 0 : index
    %get3A_8 = vector.load %arg1[%get3A_5, %get3A_6, %get3A_7] : memref<2x1024x128xf32, #tpu.memory_space<vmem>>, vector<1x1024x128xf32>
    %get3A_9 = vector.shape_cast %get3A_8 : vector<1x1024x128xf32> to vector<1024x128xf32>
    %get3A_10 = arith.constant 1 : index
    %get3A_11 = arith.constant 0 : index
    %get3A_12 = arith.constant 0 : index
    %get3A_13 = vector.load %arg1[%get3A_10, %get3A_11, %get3A_12] : memref<2x1024x128xf32, #tpu.memory_space<vmem>>, vector<1x1024x128xf32>
    %get3A_14 = vector.shape_cast %get3A_13 : vector<1x1024x128xf32> to vector<1024x128xf32>
    %add3A_15 = arith.addf %get3A_9, %get3A_14 : vector<1024x128xf32>
    %get3A_16 = arith.constant 0 : index
    %get3A_17 = arith.constant 0 : index
    %get3A_18 = vector.load %arg2[%get3A_16, %get3A_17] : memref<1024x128xf32, #tpu.memory_space<vmem>>, vector<1024x128xf32>
    %add3A_19 = arith.addf %add3A_15, %get3A_18 : vector<1024x128xf32>
    %mul3A = vector.broadcast %rsqrt3A : vector<1024x1xf32> to vector<1024x128xf32>
    %mul3A_20 = arith.mulf %mul3A, %add3A_19 : vector<1024x128xf32>
    %get3A_21 = arith.constant 0 : index
    %get3A_22 = arith.constant 0 : index
    %get3A_23 = vector.load %arg4[%get3A_21, %get3A_22] : memref<1x128xf32, #tpu.memory_space<vmem>>, vector<1x128xf32>
    %add3A_24 = vector.broadcast %get3A_23 : vector<1x128xf32> to vector<1024x128xf32>
    %add3A_25 = arith.addf %mul3A_20, %add3A_24 : vector<1024x128xf32>
    %swap3A = arith.constant 0 : index
    %swap3A_26 = arith.constant 0 : index
    %swap3A_27 = vector.load %arg5[%swap3A, %swap3A_26] : memref<1024x128xf32, #tpu.memory_space<vmem>>, vector<1024x128xf32>
    tpu.vector_store %arg5[%swap3A, %swap3A_26], %add3A_25 {strides = array<i32>} : memref<1024x128xf32, #tpu.memory_space<vmem>>, vector<1024x128xf32>,
    return
  }
  func.func @transform_0(%arg0: i32) -> (i32, i32, i32) {
    %c0_i32 = arith.constant 0 : i32
    %c0_i32_0 = arith.constant 0 : i32
    %c0_i32_1 = arith.constant 0 : i32
    return %c0_i32, %arg0, %c0_i32_0 : i32, i32, i32
  }
  func.func @transform_1(%arg0: i32) -> (i32, i32) {
    %c0_i32 = arith.constant 0 : i32
    %c0_i32_0 = arith.constant 0 : i32
    return %arg0, %c0_i32 : i32, i32
  }
  func.func @transform_2(%arg0: i32) -> (i32, i32) {
    %c0_i32 = arith.constant 0 : i32
    %c0_i32_0 = arith.constant 0 : i32
    return %arg0, %c0_i32 : i32, i32
  }
  func.func @transform_3(%arg0: i32) -> (i32, i32) {
    %c0_i32 = arith.constant 0 : i32
    %c0_i32_0 = arith.constant 0 : i32
    %c0_i32_1 = arith.constant 0 : i32
    return %c0_i32, %c0_i32_0 : i32, i32
  }
  func.func @transform_4(%arg0: i32) -> (i32, i32) {
    %c0_i32 = arith.constant 0 : i32
    %c0_i32_0 = arith.constant 0 : i32
    return %arg0, %c0_i32 : i32, i32
  }
}

</mosaic_0001>

<sc_bundles>
// kernel: kernel.11.cloned.1.call-start
scs
__scs_entry_jumppad:
0x0: {  	(pc) =	sbr.rel $0x88, $3  }
0x1: {  	(tag) =	ssettag $0x0;
	lr =	simm.s32 $0x1  }
0x2: {  	[smem:$0x3F9B] =	sst lr;
	_ =	strace $0xD0000000  }
0x3: {  	_ = 	snop  }
0x4: {  	_ = 	snop  }
0x5: {  	_ = 	snop  }
0x6: {  	_ = 	snop  }
0x7: {  	_ = 	snop  }
__scs_overlays_trampoline_lowered:
0x8: {  	[smem:$0x3FAA] =	sst s0  }
0x9: {  	[smem:$0x3FAB] =	sst s1  }
0xa: {  	[smem:$0x3FAC] =	sst s2  }
0xb: {  	[smem:$0x3FAD] =	sst s3  }
0xc: {  	[smem:$0x3FAE] =	sst s4  }
0xd: {  	[smem:$0x3FAF] =	sst s5  }
0xe: {  	[smem:$0x3FB0] =	sst s6  }
0xf: {  	[smem:$0x3FB1] =	sst s7  }
0x10: {  	[smem:$0x3FB2] =	sst s8  }
0x11: {  	[smem:$0x3FB3] =	sst s9;
	s0 =	simm.s32 @!p0 $0x0  }
0x12: {  	s1 =	sld [smem:$0x3F99];
	s0 =	simm.s32 @p0 $0x1  }
0x13: {  	[smem:$0x3FB4] =	sst s0;
	s0 =	simm.s32 @!p1 $0x0  }
0x14: {  	s2 =	sld [smem:$0x3F98];
	s0 =	simm.s32 @p1 $0x1  }
0x15: {  	[smem:$0x3FB5] =	sst s0;
	s0 =	simm.s32 @!p2 $0x0  }
0x16: {  	s3 =	sld [smem:$0x3FDB];
	s0 =	simm.s32 @p2 $0x1  }
0x17: {  	s4 =	simm.s32 $0x1BF5;
	[smem:$0x3FB7] =	sst s0  }
0x18: {  	s0 =	sld [smem:$0x3F9A];
	_ =	swait.ge [sflag:s4], $0x0  }
0x19: {  	s7 =	sld [smem:$0x3F9B]  }
0x1a: {  	s8 =	sadd.s32 $0xFFFFE003, lr  }
0x1b: {  	s9 =	sadd.s32 $0xFFFFFEF7, lr;
	s5 =	simm.s32 $0xFFFFFFFF;
	p2 =	slt.u32 s8, $0xFFFFF086  }
0x1c: {  	p1 =	slt.u32 s9, $0xF7A;
	s5 =	simm.s32 @!p2 $0x0  }
0x1d: {  	s5 =	simm.s32 @p1 $0x1;
	p0 =	seq.s32 s7, s2  }
0x1e: {  	s7 =	smul.u32 @!p0 $0xF7A, s2;
	p2 =	seq.s32 @!p0 s5, $0x0  }
0x1f: {  	s9 =	smul.u32 $0xF7A, s1;
	s8 =	simm.s32 @!p0 $0x1BF5;
	p2 =	por !p2, p0  }
0x20: {  	[sflag:s8] =	ssyncset.s32 @!p0 $0xFFFFF086;
	s6 =	sadd.s32 @!p0 s3, s7;
	s7 =	simm.s32 @!p0 $0x108  }
0x21: {  	s3 =	sadd.s32 s3, s9;
	s6 =	sadd.s32 @!p0 $0x88, s6;
	s7 =	simm.s32 @p2 $0x1082  }
0x22: {  	[simem:s7], [sflag:s8] =	dma.local @!p0 [hbm:s6], $0xF7A  }
0x23: {  	s9 =	sor.u32 $0xD0000000, s2;
	s6 =	simm.s32 $0x108;
	_ =	swait.ge @!p0 [sflag:s8], $0x0  }
0x24: {  	s3 =	sadd.s32 $0x88, s3;
	s6 =	simm.s32 @!p1 $0x1082;
	[sflag:s4] =	ssyncset.s32 $0xFFFFF086  }
0x25: {  	[simem:s6], [sflag:s4] =	dma.local [hbm:s3], $0xF7A  }
0x26: {  	[smem:$0x3F9B] =	sst s1;
	(tag) =	ssettag s2;
	_ =	strace s9  }
0x27: {  	s1 =	sld [smem:$0x3FAB]  }
0x28: {  	s2 =	sld [smem:$0x3FAC]  }
0x29: {  	s4 =	sld [smem:$0x3FAE]  }
0x2a: {  	p0 =	seq.s32 s5, $0x0;
	s5 =	sld [smem:$0x3FAF]  }
0x2b: {  	s6 =	sld [smem:$0x3FB0]  }
0x2c: {  	s7 =	sld [smem:$0x3FB1]  }
0x2d: {  	s3 =	simm.s32 $0x108;
	s8 =	sld [smem:$0x3FB2]  }
0x2e: {  	s3 =	simm.s32 @!p0 $0x1082;
	s9 =	sld [smem:$0x3FB3]  }
0x2f: {  	lr =	sadd.s32 s0, s3;
	s0 =	sld [smem:$0x3FAA]  }
0x30: {  	s3 =	sld [smem:$0x3FAD]  }
0x31: {  	[smem:$0x3FB6] =	sst s10  }
0x32: {  	s10 =	sld [smem:$0x3FB4];
	_ =	sdelay $0x3  }
0x33: {  	p0 =	seq.s32 s10, $0x1;
	s10 =	sld [smem:$0x3FB6];
	_ =	sdelay $0x3  }
0x34: {  	[smem:$0x3FB6] =	sst s10  }
0x35: {  	s10 =	sld [smem:$0x3FB5];
	_ =	sdelay $0x3  }
0x36: {  	p1 =	seq.s32 s10, $0x1;
	s10 =	sld [smem:$0x3FB6];
	_ =	sdelay $0x3  }
0x37: {  	[smem:$0x3FB6] =	sst s10  }
0x38: {  	s10 =	sld [smem:$0x3FB7]  }
0x39: {  	_ = 	snop;
	(pc) =	sbr.ind lr, $3  }
0x3a: {  	_ = 	snop  }
0x3b: {  	_ = 	snop  }
0x3c: {  	p2 =	seq.s32 s10, $0x1;
	s10 =	sld [smem:$0x3FB6]  }
0x3d: {  	_ =	shalt  }
0x3e: {  	_ =	shalt  }
0x3f: {  	_ =	shalt  }
0x40: {  	_ =	shalt  }
0x41: {  	_ =	shalt  }
0x42: {  	_ =	shalt  }
0x43: {  	_ =	shalt  }
0x44: {  	_ =	shalt  }
0x45: {  	_ =	shalt  }
0x46: {  	_ =	shalt  }
0x47: {  	_ =	shalt  }
0x48: {  	_ =	shalt  }
0x49: {  	_ =	shalt  }
0x4a: {  	_ =	shalt  }
0x4b: {  	_ =	shalt  }
0x4c: {  	_ =	shalt  }
0x4d: {  	_ =	shalt  }
0x4e: {  	_ =	shalt  }
0x4f: {  	_ =	shalt  }
0x50: {  	_ =	shalt  }
0x51: {  	_ =	shalt  }
0x52: {  	_ =	shalt  }
0x53: {  	_ =	shalt  }
0x54: {  	_ =	shalt  }
0x55: {  	_ =	shalt  }
0x56: {  	_ =	shalt  }
0x57: {  	_ =	shalt  }
0x58: {  	_ =	shalt  }
0x59: {  	_ =	shalt  }
0x5a: {  	_ =	shalt  }
0x5b: {  	_ =	shalt  }
0x5c: {  	_ =	shalt  }
0x5d: {  	_ =	shalt  }
0x5e: {  	_ =	shalt  }
0x5f: {  	_ =	shalt  }
0x60: {  	_ =	shalt  }
0x61: {  	_ =	shalt  }
0x62: {  	_ =	shalt  }
0x63: {  	_ =	shalt  }
0x64: {  	_ =	shalt  }
0x65: {  	_ =	shalt  }
0x66: {  	_ =	shalt  }
0x67: {  	_ =	shalt  }
0x68: {  	_ =	shalt  }
0x69: {  	_ =	shalt  }
0x6a: {  	_ =	shalt  }
0x6b: {  	_ =	shalt  }
0x6c: {  	_ =	shalt  }
0x6d: {  	_ =	shalt  }
0x6e: {  	_ =	shalt  }
0x6f: {  	_ =	shalt  }
0x70: {  	_ =	shalt  }
0x71: {  	_ =	shalt  }
0x72: {  	_ =	shalt  }
0x73: {  	_ =	shalt  }
0x74: {  	_ =	shalt  }
0x75: {  	_ =	shalt  }
0x76: {  	_ =	shalt  }
0x77: {  	_ =	shalt  }
0x78: {  	_ =	shalt  }
0x79: {  	_ =	shalt  }
0x7a: {  	_ =	shalt  }
0x7b: {  	_ =	shalt  }
0x7c: {  	_ =	shalt  }
0x7d: {  	_ =	shalt  }
0x7e: {  	_ =	shalt  }
0x7f: {  	_ =	shalt  }
0x80: {  	_ =	shalt  }
0x81: {  	_ =	shalt  }
0x82: {  	_ =	shalt  }
0x83: {  	_ =	shalt  }
0x84: {  	_ =	shalt  }
0x85: {  	_ =	shalt  }
0x86: {  	_ =	shalt  }
0x87: {  	_ =	shalt  }
.Lfunc_end0:
.L_simem_size_0:
called_computation.1_lowered:
.L_overlay_start_0:
0x88: {  	s2 =	sld [smem:$0x3FD9]  }
0x89: {  	s3 =	sld [smem:$0x3FFE];
	_ =	sdelay $0x1  }
0x8a: {  	s1 =	srdreg.scid  }
0x8b: {  	s0 =	sand.u32 $0x1, s1  }
0x8c: {  	s17 =	sshll.u32 s0, $0xA;
	s2 =	sadd.s32 s3, s2  }
0x8d: {  	s2 =	sadd.s32 s2, s17  }
0x8e: {  	[smem:$0x3FC2] =	sst s2  }
0x8f: {  	_ = 	snop  }
0x90: {  	s2 =	sld [smem:$0x3FD0];
	(tm) =	ssettm $0x1  }
0x91: {  	s18 =	sld [smem:$0x3FFB];
	_ =	sdelay $0x3  }
0x92: {  	_ =	strace s18  }
0x93: {  	s3 =	sld [smem:$0x3FFC];
	_ =	sdelay $0x3  }
0x94: {  	_ =	strace s3  }
0x95: {  	s3 =	sld [smem:$0x3FFD];
	_ =	sdelay $0x3  }
0x96: {  	_ =	strace s3  }
0x97: {  	_ =	strace $0x8FFFFFFF  }
0x98: {  	s19 =	sld [smem:$0x3FDB];
	_ =	sdelay $0x1  }
0x99: {  	s4 =	simm.s32 $_scs_section_size  }
0x9a: {  	s5 =	simm.s32 $_size__tile_overlayer_lowered;
	s6 =	simm.s32 $_tile_overlayer_lowered  }
0x9b: {  	s22 =	simm.s32 $0x1BFF;
	s21 =	sshll.u32 s6, $0x1;
	s3 =	sadd.s32 s4, s19  }
0x9c: {  	s7 =	simm.s32 $0x0;
	s20 =	sshll.u32 s5, $0x1;
	s5 =	sadd.s32 s21, s3  }
0x9d: {  	[timem:s7], [sflag:s22] =	dma.local [hbm:s5], s20  }
0x9e: {  	_ =	swait.ge [sflag:s22], s20  }
0x9f: {  	s4 =	ssub.s32 $0x0, s20;
	[sflag:s22] =	ssyncset.done $0x0  }
0xa0: {  	[sflag:s22] =	ssyncadd.s32 s4;
	_ =	sdelay $0x1  }
0xa1: {  	s23 =	simm.s32 $0x1B8B  }
0xa2: {  	_ =	swait.ge [sflag:s23], $0x1  }
0xa3: {  	[sflag:s23] =	ssyncset.done $0x0  }
0xa4: {  	s25 =	simm.s32 $0x1B8E;
	s24 =	sld [smem:$0x3FFE];
	[sflag:s23] =	ssyncadd.s32 $0xFFFFFFFF  }
0xa5: {  	s26 =	simm.s32 $execute0_lowered;
	[smem:$0x3FD2] =	sst s25  }
0xa6: {  	s5 =	sshll.u32 s26, $0x1;
	_ =	strace $0x80000049;
	[dreg:$0x1] =	wrdreg $0xFFFFFFFF  }
0xa7: {  	s28 =	simm.s32 $_size_execute0_lowered;
	s3 =	sadd.s32 s3, s5;
	[dreg:$0x0] =	wrdreg $0x0  }
0xa8: {  	s5 =	sshll.u32 s28, $0x1;
	[dreg:$0x2] =	wrdreg s3  }
0xa9: {  	[dreg:$0x3] =	wrdreg s5  }
0xaa: {  	[dreg:$0x4] =	wrdreg $0xC0  }
0xab: {  	_ =	task [dreg:s7], $0x5FFFF  }
0xac: {  	[dreg:$0x1] =	wrdreg $0xFFFFFFFF  }
0xad: {  	[dreg:$0x0] =	wrdreg $0x60  }
0xae: {  	[dreg:$0x2] =	wrdreg s24  }
0xaf: {  	[dreg:$0x3] =	wrdreg s2  }
0xb0: {  	[dreg:$0x4] =	wrdreg $0xA0000  }
0xb1: {  	[dreg:$0x5] =	wrdreg $0x9  }
0xb2: {  	_ =	task.clear_ibuf [dreg:s7], $0x6FFFF;
	_ =	strace $0x90000049  }
0xb3: {  	s29 =	simm.s32 $0x9;
	_ =	strace $0x8000004B  }
0xb4: {  	_ =	swait.ge [sflag:s29], $0x1  }
0xb5: {  	[sflag:s29] =	ssyncadd.s32 $0xFFFFFFFF  }
0xb6: {  	_ =	strace $0x9000004B  }
0xb7: {  	_ =	sfence  }
0xb8: {  	s30 =	sld [smem:$0x0];
	_ =	sdelay $0x2  }
0xb9: {  	s31 =	sshll.u32 s1, $0xD;
	s1 =	sshrl.u32 s1, $0x2  }
0xba: {  	s3 =	sand.u32 $0x4000, s31;
	s1 =	sadd.s32 s1, s30  }
0xbb: {  	s0 =	sor.u32 s3, s0;
	s1 =	sshll.u32 s1, $0x11  }
0xbc: {  	s0 =	sor.u32 s1, s0  }
0xbd: {  	s0 =	sadd.s32 $0x8F2B, s0  }
0xbe: {  	[sflag:s0] =	ssyncadd.remote.s32 $0x1  }
0xbf: {  	_ =	sfence.sel $0xFFFF  }
0xc0: {  	[dreg:$0x0] =	wrdreg $0xFFFFFFFF;
	(pc) =	sbr.abs _section_cstart, $3  }
0xc1: {  	[dreg:$0x1] =	wrdreg $0xFFFFFFFF  }
0xc2: {  	_ =	task.clear_ibuf [dreg:s7], $0x2FFFF;
	_ =	strace $0x9FFFFFFF  }
0xc3: {  	(tm) =	ssettm $0x7FFFFFFF  }
tec
execute0_lowered:
.L_overlay_start_1:
0x0: {  	(tag) =	ssettag $0x1  }
0x1: {  	s7 =	rddreg [dreg:$0x0]  }
0x2: {  	s1 =	rddreg [dreg:$0x1]  }
0x3: {  	s2 =	rddreg [dreg:$0x2];
	s3 =	srdreg.scid  }
0x4: {  	s4 =	simm.s32 $0x0;
	s16 =	simm.s32 $0x3;
	s17 =	simm.s32 $0x5  }
0x5: {  	s18 =	simm.s32 $0x1000;
	s19 =	simm.s32 $0x80;
	s20 =	simm.s32 $0x1  }
0x6: {  	s21 =	simm.s32 $0x6000;
	s22 =	simm.s32 $0x2;
	s23 =	simm.s32 $0x4  }
0x7: {  	s25 =	simm.s32 $0x1F00;
	s24 =	sand.u32 $0x1, s3;
	s3 =	stileid.u32  }
0x8: {  	s26 =	simm.s32 $0x1F80;
	[smem:$0x7FF] =	sst s4;
	s8 =	smul.u32 $0x140000, s24  }
0x9: {  	s5 =	sadd.s32 $0x20400, s7;
	s6 =	sadd.s32 $0x16400, s7;
	s9 =	smul.u32 $0x14000, s3  }
0xa: {  	_ =	strace $0x8000004A;
	s10 =	smul.u32 $0x50000, s3;
	s30 =	ssub.s32 $0x2, s24  }
0xb: {  	s31 =	sshll.u32 s3, $0xC;
	p0 =	seq.s32 s24, $0x0;
	s11 =	sshrl.u32 s30, $0x1  }
0xc: {  	s15 =	sshll.u32 s3, $0xE;
	s8 =	sadd.s32 s9, s8;
	s14 =	ssub.s32 s30, s11  }
0xd: {  	s10 =	sshrl.u32 s10, $0x2;
	s8 =	sshrl.u32 s8, $0x3;
	s14 =	smax.u32 s14, $0x1  }
0xe: {  	s13 =	sadd.s32 s8, s7;
	s7 =	sadd.s32 s10, s2;
	s10 =	sor.u32 $0x40000, s31  }
0xf: {  	s8 =	sadd.s32 $0x4000, s7;
	s9 =	sadd.s32 $0x8000, s7;
	s11 =	sadd.s32 $0xC000, s7  }
0x10: {  	s12 =	sadd.s32 $0x10000, s7;
	s10 =	smov.u32 @p0 s15;
	s13 =	sadd.s32 $0x48400, s13  }
0x11: {  	v0 =	vimm.f32 $0.0e+00;
	s15 =	simm.s32 $0x2000;
	p0 =	sne.s32 s24, $0x0;
	s24 =	simm.s32 $0xF80  }
.LBB2_1:
0x12: {  	s28 =	simm.s32 $0x0;
	s29 =	simm.s32 $0x200  }
.LBB2_2:
0x13: {  	p1 =	sne.s32 s29, $0xFE00;
	[tilespmem:s28+$0x2070] =	vst v0  }
0x14: {  	[tilespmem:s28+$0x2000] =	vst v0  }
0x15: {  	[tilespmem:s28+$0x2010] =	vst v0  }
.Ltmp0:
0x16: {  	[tilespmem:s28+$0x2020] =	vst v0;
	(pc) =	sbr.rel @p1 .LBB2_2-.Ltmp0, $4  }
0x17: {  	[tilespmem:s28+$0x2030] =	vst v0  }
0x18: {  	[tilespmem:s28+$0x2040] =	vst v0  }
0x19: {  	[tilespmem:s28+$0x2050] =	vst v0  }
0x1a: {  	[tilespmem:s28+$0x2060] =	vst v0;
	s28 =	sshra.s32 s29, $0x2;
	s29 =	sadd.s32 $0x200, s29  }
0x1b: {  	[tilespmem:s28+$0x2070] =	vst v0  }
0x1c: {  	[tilespmem:s28+$0x2000] =	vst v0  }
0x1d: {  	[tilespmem:s28+$0x2010] =	vst v0  }
0x1e: {  	[tilespmem:s28+$0x2020] =	vst v0  }
0x1f: {  	[tilespmem:s28+$0x2030] =	vst v0  }
0x20: {  	[tilespmem:s28+$0x2040] =	vst v0  }
0x21: {  	[tilespmem:s28+$0x2050] =	vst v0  }
0x22: {  	[tilespmem:s28+$0x2060] =	vst v0  }
0x23: {  	[spmem:s7] =	stream.linear.scatter [tilespmem:s15], [sflag:$0x3], $0x4000, $0x38;
	[tilespmem:$0x1E000] =	vst v63  }
0x24: {  	_ = 	snop  }
0x25: {  	[spmem:s8] =	stream.linear.scatter [tilespmem:s15], [sflag:$0x3], $0x4000, $0x38;
	[tilespmem:$0x1E000] =	vst v63  }
0x26: {  	_ = 	snop  }
0x27: {  	[spmem:s9] =	stream.linear.scatter [tilespmem:s15], [sflag:$0x3], $0x4000, $0x38;
	[tilespmem:$0x1E000] =	vst v63  }
0x28: {  	_ = 	snop  }
0x29: {  	[spmem:s11] =	stream.linear.scatter [tilespmem:s15], [sflag:$0x3], $0x4000, $0x38;
	[tilespmem:$0x1E000] =	vst v63  }
0x2a: {  	_ = 	snop  }
0x2b: {  	[spmem:s12] =	stream.linear.scatter [tilespmem:s15], [sflag:$0x3], $0x4000, $0x38;
	[tilespmem:$0x1E000] =	vst v63  }
0x2c: {  	_ =	swait.ge [sflag:s16], $0x4000  }
0x2d: {  	[sflag:s16] =	ssyncset.done $0x0  }
0x2e: {  	[sflag:s16] =	ssyncadd.s32 $0xFFFFC000  }
0x2f: {  	_ =	swait.ge [sflag:s16], $0x4000  }
0x30: {  	[sflag:s16] =	ssyncset.done $0x0  }
0x31: {  	[sflag:s16] =	ssyncadd.s32 $0xFFFFC000  }
0x32: {  	_ =	swait.ge [sflag:s16], $0x4000  }
0x33: {  	[sflag:s16] =	ssyncset.done $0x0  }
0x34: {  	[sflag:s16] =	ssyncadd.s32 $0xFFFFC000  }
0x35: {  	_ =	swait.ge [sflag:s16], $0x4000  }
0x36: {  	[sflag:s16] =	ssyncset.done $0x0  }
0x37: {  	[sflag:s16] =	ssyncadd.s32 $0xFFFFC000  }
0x38: {  	_ =	swait.ge [sflag:s16], $0x4000  }
0x39: {  	[sflag:s16] =	ssyncset.done $0x0  }
0x3a: {  	[sflag:s16] =	ssyncadd.s32 $0xFFFFC000  }
0x3b: {  	s28 =	simm.s32 $0x0;
	s29 =	simm.s32 $0x0;
	[bflag:$0x0] =	sbarrier.arrive $0xFFFF  }
.LBB2_4:
0x3c: {  	s30 =	sshll.u32 s29, $0xC  }
0x3d: {  	s30 =	sadd.s32 s10, s30  }
0x3e: {  	s30 =	sshrl.u32 s30, $0x3  }
0x3f: {  	s31 =	sadd.s32 s6, s30  }
0x40: {  	[tilespmem:s28], [sflag:$0x5] =	stream.linear.gather [hbm4b:s31+s28], $0x1000, $0x38;
	[tilespmem:$0x1E000] =	vst v63  }
0x41: {  	_ =	swait.ge [sflag:s17], $0x1000  }
0x42: {  	[sflag:s17] =	ssyncset.done $0x0  }
0x43: {  	s30 =	sadd.s32 s1, s30;
	[sflag:s17] =	ssyncadd.s32 $0xFFFFF000  }
0x44: {  	[tilespmem:s18], [sflag:$0x5] =	stream.linear.gather [hbm4b:s30+s28], $0x1000, $0x38;
	[tilespmem:$0x1E000] =	vst v63  }
0x45: {  	_ =	swait.ge [sflag:s17], $0x1000  }
0x46: {  	[sflag:s17] =	ssyncset.done $0x0  }
0x47: {  	[sflag:s17] =	ssyncadd.s32 $0xFFFFF000  }
0x48: {  	[tilespmem:s15], [sflag:$0x1] =	stream.indirect.gather [hbm4b:s5+s19], $0x80, s28, s19, $0xb8;
	[tilespmem:$0x1E000] =	vst v63  }
0x49: {  	_ =	swait.ge [sflag:s20], $0x4000  }
0x4a: {  	[sflag:s20] =	ssyncset.done $0x0  }
0x4b: {  	s30 =	simm.s32 $0x80;
	[sflag:s20] =	ssyncadd.s32 $0xFFFFC000  }
0x4c: {  	[tilespmem:s21], [sflag:$0x2] =	stream.indirect.gather [hbm4b:s5+s19], $0x80, s30, s19, $0xb8;
	[tilespmem:$0x1E000] =	vst v63  }
0x4d: {  	s30 =	simm.s32 $0x1000  }
0x4e: {  	[spmem:s2] =	stream.indirect.scatter.add.f32 [tilespmem:s15], [sflag:$0x3], $0x80, s30, s19, $0xb8;
	[tilespmem:$0x1E000] =	vst v63  }
0x4f: {  	_ =	swait.ge [sflag:s22], $0x4000  }
0x50: {  	[sflag:s22] =	ssyncset.done $0x0  }
0x51: {  	[sflag:s22] =	ssyncadd.s32 $0xFFFFC000  }
0x52: {  	_ =	swait.ge [sflag:s16], $0x4000  }
0x53: {  	[sflag:s16] =	ssyncset.done $0x0  }
0x54: {  	s30 =	simm.s32 $0x100;
	[sflag:s16] =	ssyncadd.s32 $0xFFFFC000  }
0x55: {  	[tilespmem:s15], [sflag:$0x1] =	stream.indirect.gather [hbm4b:s5+s19], $0x80, s30, s19, $0xb8;
	[tilespmem:$0x1E000] =	vst v63  }
0x56: {  	s30 =	simm.s32 $0x1080  }
0x57: {  	[spmem:s2] =	stream.indirect.scatter.add.f32 [tilespmem:s21], [sflag:$0x4], $0x80, s30, s19, $0xb8;
	[tilespmem:$0x1E000] =	vst v63  }
0x58: {  	_ =	swait.ge [sflag:s23], $0x4000  }
0x59: {  	s30 =	simm.s32 $0x400;
	[sflag:s23] =	ssyncset.done $0x0  }
.LBB2_5:
0x5a: {  	p1 =	sne.s32 s30, $0x3800  }
0x5b: {  	[sflag:s23] =	ssyncadd.s32 $0xFFFFC000;
	s31 =	smov.u32 s30;
	s30 =	sadd.s32 $0x400, s30  }
0x5c: {  	_ = 	snop  }
0x5d: {  	_ =	swait.ge [sflag:s20], $0x4000  }
0x5e: {  	s31 =	sshra.s32 s31, $0x2;
	[sflag:s20] =	ssyncset.done $0x0  }
0x5f: {  	s0 =	sadd.s32 $0x80, s31;
	[sflag:s20] =	ssyncadd.s32 $0xFFFFC000  }
0x60: {  	[tilespmem:s21], [sflag:$0x2] =	stream.indirect.gather [hbm4b:s5+s19], $0x80, s0, s19, $0xb8;
	[tilespmem:$0x1E000] =	vst v63  }
0x61: {  	s0 =	sadd.s32 $0x1000, s31  }
0x62: {  	[spmem:s2] =	stream.indirect.scatter.add.f32 [tilespmem:s15], [sflag:$0x3], $0x80, s0, s19, $0xb8;
	[tilespmem:$0x1E000] =	vst v63  }
0x63: {  	_ =	swait.ge [sflag:s22], $0x4000  }
0x64: {  	[sflag:s22] =	ssyncset.done $0x0  }
0x65: {  	[sflag:s22] =	ssyncadd.s32 $0xFFFFC000  }
0x66: {  	_ =	swait.ge [sflag:s16], $0x4000  }
0x67: {  	[sflag:s16] =	ssyncset.done $0x0  }
0x68: {  	s0 =	sadd.s32 $0x100, s31;
	[sflag:s16] =	ssyncadd.s32 $0xFFFFC000  }
0x69: {  	[tilespmem:s15], [sflag:$0x1] =	stream.indirect.gather [hbm4b:s5+s19], $0x80, s0, s19, $0xb8;
	[tilespmem:$0x1E000] =	vst v63  }
.Ltmp1:
0x6a: {  	_ = 	snop;
	(pc) =	sbr.rel @p1 .LBB2_5-.Ltmp1, $4  }
0x6b: {  	s0 =	sadd.s32 $0x1080, s31  }
0x6c: {  	[spmem:s2] =	stream.indirect.scatter.add.f32 [tilespmem:s21], [sflag:$0x4], $0x80, s0, s19, $0xb8;
	[tilespmem:$0x1E000] =	vst v63  }
0x6d: {  	_ =	swait.ge [sflag:s23], $0x4000  }
0x6e: {  	[sflag:s23] =	ssyncset.done $0x0  }
0x6f: {  	[sflag:s23] =	ssyncadd.s32 $0xFFFFC000  }
0x70: {  	_ =	swait.ge [sflag:s20], $0x4000  }
0x71: {  	[sflag:s20] =	ssyncset.done $0x0  }
0x72: {  	[sflag:s20] =	ssyncadd.s32 $0xFFFFC000  }
0x73: {  	[tilespmem:s21], [sflag:$0x2] =	stream.indirect.gather [hbm4b:s5+s19], $0x80, s24, s19, $0xb8;
	[tilespmem:$0x1E000] =	vst v63  }
0x74: {  	_ = 	snop  }
0x75: {  	[spmem:s2] =	stream.indirect.scatter.add.f32 [tilespmem:s15], [sflag:$0x3], $0x80, s25, s19, $0xb8;
	[tilespmem:$0x1E000] =	vst v63  }
0x76: {  	_ =	swait.ge [sflag:s22], $0x4000  }
0x77: {  	[sflag:s22] =	ssyncset.done $0x0  }
0x78: {  	[sflag:s22] =	ssyncadd.s32 $0xFFFFC000  }
0x79: {  	p1 =	slt.u32 @!p0 s29, $0x3;
	_ =	swait.ge [sflag:s16], $0x4000  }
0x7a: {  	p1 =	por p0, !p1;
	[sflag:s16] =	ssyncset.done $0x0  }
.Ltmp2:
0x7b: {  	[sflag:s16] =	ssyncadd.s32 $0xFFFFC000;
	(pc) =	sbr.rel @!p1 .LBB2_4-.Ltmp2, $4  }
0x7c: {  	[spmem:s2] =	stream.indirect.scatter.add.f32 [tilespmem:s21], [sflag:$0x4], $0x80, s26, s19, $0xb8;
	[tilespmem:$0x1E000] =	vst v63  }
0x7d: {  	_ =	swait.ge [sflag:s23], $0x4000  }
0x7e: {  	[sflag:s23] =	ssyncset.done $0x0  }
0x7f: {  	s29 =	sadd.s32 $0x1, s29;
	[sflag:s23] =	ssyncadd.s32 $0xFFFFC000  }
0x80: {  	s4 =	sadd.s32 $0x1, s4  }
0x81: {  	s0 =	sshll.u32 s3, $0x6;
	[bflag:$0x0] =	sbarrier.arrive $0xFFFF;
	p1 =	sne.s32 s4, s14  }
.Ltmp3:
0x82: {  	s28 =	sshrl.u32 s7, $0x3;
	s0 =	sor.u32 $0x1C05, s0;
	(pc) =	sbr.rel @p1 .LBB2_1-.Ltmp3, $4  }
0x83: {  	[hbm:s13], [sflag:s0] =	dma.local [spmem:s28], $0x2800  }
0x84: {  	_ =	swait.ge [sflag:s17], $0x2800  }
0x85: {  	[sflag:s17] =	ssyncset.done $0x0  }
0x86: {  	[sflag:s17] =	ssyncadd.s32 $0xFFFFD800  }
0x87: {  	_ =	sfence.sel $0x180000  }
0x88: {  	[bflag:$0x0] =	sbarrier.arrive $0xFFFF  }
0x89: {  	_ =	strace $0x9000004A  }
0x8a: {  	[bflag:$0x2] =	sbarrier.arrive $0xFFFF  }
0x8b: {  	p0 =	sne.s32 s3, $0x0;
	s0 =	rddreg [dreg:$0x3]  }
0x8c: {  	s0 =	sadd.s32 @!p0 $0x100000, s0  }
0x8d: {  	[sflag:s0] =	ssyncadd.tile.s32 @!p0 $0x1;
	_ =	shalt  }
.Lfunc_end2:
_tile_overlayer_lowered:
.L_overlay_start_2:
0x8e: {  	(tag) =	ssettag $0x2  }
0x8f: {  	s0 =	rddreg [dreg:$0x0];
	s2 =	stileid.u32  }
0x90: {  	s1 =	rddreg [dreg:$0x1];
	p0 =	sne.s32 s2, $0x0  }
0x91: {  	s3 =	rddreg [dreg:$0x2];
	[bflag:$0x3] =	sbarrier.arrive $0xFFFF;
	s2 =	simm.s32 @!p0 $0x1C05  }
0x92: {  	[timem:s3], [sflag:s2] =	dma.local @!p0 [hbm:s0], s1  }
0x93: {  	s0 =	simm.s32 @!p0 $0x5  }
0x94: {  	_ =	swait.ge @!p0 [sflag:s0], s1  }
0x95: {  	s1 =	ssub.s32 @!p0 $0x0, s1;
	[sflag:s0] =	ssyncset.done @!p0 $0x0  }
0x96: {  	[sflag:s0] =	ssyncadd.s32 @!p0 s1  }
0x97: {  	[bflag:$0x3] =	sbarrier.arrive $0xFFFF  }
0x98: {  	_ =	shalt  }

// kernel: kernel.14.cloned.1.call-start
scs
__scs_entry_jumppad:
0x0: {  	(pc) =	sbr.rel $0x88, $3  }
0x1: {  	(tag) =	ssettag $0x0;
	lr =	simm.s32 $0x1  }
0x2: {  	[smem:$0x3F9B] =	sst lr;
	_ =	strace $0xD0000000  }
0x3: {  	_ = 	snop  }
0x4: {  	_ = 	snop  }
0x5: {  	_ = 	snop  }
0x6: {  	_ = 	snop  }
0x7: {  	_ = 	snop  }
__scs_overlays_trampoline_lowered:
0x8: {  	[smem:$0x3FAA] =	sst s0  }
0x9: {  	[smem:$0x3FAB] =	sst s1  }
0xa: {  	[smem:$0x3FAC] =	sst s2  }
0xb: {  	[smem:$0x3FAD] =	sst s3  }
0xc: {  	[smem:$0x3FAE] =	sst s4  }
0xd: {  	[smem:$0x3FAF] =	sst s5  }
0xe: {  	[smem:$0x3FB0] =	sst s6  }
0xf: {  	[smem:$0x3FB1] =	sst s7  }
0x10: {  	[smem:$0x3FB2] =	sst s8  }
0x11: {  	[smem:$0x3FB3] =	sst s9;
	s0 =	simm.s32 @!p0 $0x0  }
0x12: {  	s1 =	sld [smem:$0x3F99];
	s0 =	simm.s32 @p0 $0x1  }
0x13: {  	[smem:$0x3FB4] =	sst s0;
	s0 =	simm.s32 @!p1 $0x0  }
0x14: {  	s2 =	sld [smem:$0x3F98];
	s0 =	simm.s32 @p1 $0x1  }
0x15: {  	[smem:$0x3FB5] =	sst s0;
	s0 =	simm.s32 @!p2 $0x0  }
0x16: {  	s3 =	sld [smem:$0x3FDB];
	s0 =	simm.s32 @p2 $0x1  }
0x17: {  	s4 =	simm.s32 $0x1BF5;
	[smem:$0x3FB7] =	sst s0  }
0x18: {  	s0 =	sld [smem:$0x3F9A];
	_ =	swait.ge [sflag:s4], $0x0  }
0x19: {  	s7 =	sld [smem:$0x3F9B]  }
0x1a: {  	s8 =	sadd.s32 $0xFFFFE003, lr  }
0x1b: {  	s9 =	sadd.s32 $0xFFFFFEF7, lr;
	s5 =	simm.s32 $0xFFFFFFFF;
	p2 =	slt.u32 s8, $0xFFFFF086  }
0x1c: {  	p1 =	slt.u32 s9, $0xF7A;
	s5 =	simm.s32 @!p2 $0x0  }
0x1d: {  	s5 =	simm.s32 @p1 $0x1;
	p0 =	seq.s32 s7, s2  }
0x1e: {  	s7 =	smul.u32 @!p0 $0xF7A, s2;
	p2 =	seq.s32 @!p0 s5, $0x0  }
0x1f: {  	s9 =	smul.u32 $0xF7A, s1;
	s8 =	simm.s32 @!p0 $0x1BF5;
	p2 =	por !p2, p0  }
0x20: {  	[sflag:s8] =	ssyncset.s32 @!p0 $0xFFFFF086;
	s6 =	sadd.s32 @!p0 s3, s7;
	s7 =	simm.s32 @!p0 $0x108  }
0x21: {  	s3 =	sadd.s32 s3, s9;
	s6 =	sadd.s32 @!p0 $0x88, s6;
	s7 =	simm.s32 @p2 $0x1082  }
0x22: {  	[simem:s7], [sflag:s8] =	dma.local @!p0 [hbm:s6], $0xF7A  }
0x23: {  	s9 =	sor.u32 $0xD0000000, s2;
	s6 =	simm.s32 $0x108;
	_ =	swait.ge @!p0 [sflag:s8], $0x0  }
0x24: {  	s3 =	sadd.s32 $0x88, s3;
	s6 =	simm.s32 @!p1 $0x1082;
	[sflag:s4] =	ssyncset.s32 $0xFFFFF086  }
0x25: {  	[simem:s6], [sflag:s4] =	dma.local [hbm:s3], $0xF7A  }
0x26: {  	[smem:$0x3F9B] =	sst s1;
	(tag) =	ssettag s2;
	_ =	strace s9  }
0x27: {  	s1 =	sld [smem:$0x3FAB]  }
0x28: {  	s2 =	sld [smem:$0x3FAC]  }
0x29: {  	s4 =	sld [smem:$0x3FAE]  }
0x2a: {  	p0 =	seq.s32 s5, $0x0;
	s5 =	sld [smem:$0x3FAF]  }
0x2b: {  	s6 =	sld [smem:$0x3FB0]  }
0x2c: {  	s7 =	sld [smem:$0x3FB1]  }
0x2d: {  	s3 =	simm.s32 $0x108;
	s8 =	sld [smem:$0x3FB2]  }
0x2e: {  	s3 =	simm.s32 @!p0 $0x1082;
	s9 =	sld [smem:$0x3FB3]  }
0x2f: {  	lr =	sadd.s32 s0, s3;
	s0 =	sld [smem:$0x3FAA]  }
0x30: {  	s3 =	sld [smem:$0x3FAD]  }
0x31: {  	[smem:$0x3FB6] =	sst s10  }
0x32: {  	s10 =	sld [smem:$0x3FB4];
	_ =	sdelay $0x3  }
0x33: {  	p0 =	seq.s32 s10, $0x1;
	s10 =	sld [smem:$0x3FB6];
	_ =	sdelay $0x3  }
0x34: {  	[smem:$0x3FB6] =	sst s10  }
0x35: {  	s10 =	sld [smem:$0x3FB5];
	_ =	sdelay $0x3  }
0x36: {  	p1 =	seq.s32 s10, $0x1;
	s10 =	sld [smem:$0x3FB6];
	_ =	sdelay $0x3  }
0x37: {  	[smem:$0x3FB6] =	sst s10  }
0x38: {  	s10 =	sld [smem:$0x3FB7]  }
0x39: {  	_ = 	snop;
	(pc) =	sbr.ind lr, $3  }
0x3a: {  	_ = 	snop  }
0x3b: {  	_ = 	snop  }
0x3c: {  	p2 =	seq.s32 s10, $0x1;
	s10 =	sld [smem:$0x3FB6]  }
0x3d: {  	_ =	shalt  }
0x3e: {  	_ =	shalt  }
0x3f: {  	_ =	shalt  }
0x40: {  	_ =	shalt  }
0x41: {  	_ =	shalt  }
0x42: {  	_ =	shalt  }
0x43: {  	_ =	shalt  }
0x44: {  	_ =	shalt  }
0x45: {  	_ =	shalt  }
0x46: {  	_ =	shalt  }
0x47: {  	_ =	shalt  }
0x48: {  	_ =	shalt  }
0x49: {  	_ =	shalt  }
0x4a: {  	_ =	shalt  }
0x4b: {  	_ =	shalt  }
0x4c: {  	_ =	shalt  }
0x4d: {  	_ =	shalt  }
0x4e: {  	_ =	shalt  }
0x4f: {  	_ =	shalt  }
0x50: {  	_ =	shalt  }
0x51: {  	_ =	shalt  }
0x52: {  	_ =	shalt  }
0x53: {  	_ =	shalt  }
0x54: {  	_ =	shalt  }
0x55: {  	_ =	shalt  }
0x56: {  	_ =	shalt  }
0x57: {  	_ =	shalt  }
0x58: {  	_ =	shalt  }
0x59: {  	_ =	shalt  }
0x5a: {  	_ =	shalt  }
0x5b: {  	_ =	shalt  }
0x5c: {  	_ =	shalt  }
0x5d: {  	_ =	shalt  }
0x5e: {  	_ =	shalt  }
0x5f: {  	_ =	shalt  }
0x60: {  	_ =	shalt  }
0x61: {  	_ =	shalt  }
0x62: {  	_ =	shalt  }
0x63: {  	_ =	shalt  }
0x64: {  	_ =	shalt  }
0x65: {  	_ =	shalt  }
0x66: {  	_ =	shalt  }
0x67: {  	_ =	shalt  }
0x68: {  	_ =	shalt  }
0x69: {  	_ =	shalt  }
0x6a: {  	_ =	shalt  }
0x6b: {  	_ =	shalt  }
0x6c: {  	_ =	shalt  }
0x6d: {  	_ =	shalt  }
0x6e: {  	_ =	shalt  }
0x6f: {  	_ =	shalt  }
0x70: {  	_ =	shalt  }
0x71: {  	_ =	shalt  }
0x72: {  	_ =	shalt  }
0x73: {  	_ =	shalt  }
0x74: {  	_ =	shalt  }
0x75: {  	_ =	shalt  }
0x76: {  	_ =	shalt  }
0x77: {  	_ =	shalt  }
0x78: {  	_ =	shalt  }
0x79: {  	_ =	shalt  }
0x7a: {  	_ =	shalt  }
0x7b: {  	_ =	shalt  }
0x7c: {  	_ =	shalt  }
0x7d: {  	_ =	shalt  }
0x7e: {  	_ =	shalt  }
0x7f: {  	_ =	shalt  }
0x80: {  	_ =	shalt  }
0x81: {  	_ =	shalt  }
0x82: {  	_ =	shalt  }
0x83: {  	_ =	shalt  }
0x84: {  	_ =	shalt  }
0x85: {  	_ =	shalt  }
0x86: {  	_ =	shalt  }
0x87: {  	_ =	shalt  }
.Lfunc_end0:
.L_simem_size_0:
called_computation.2_lowered:
.L_overlay_start_0:
0x88: {  	s2 =	sld [smem:$0x3FD9]  }
0x89: {  	s3 =	sld [smem:$0x3FFE];
	_ =	sdelay $0x1  }
0x8a: {  	s1 =	srdreg.scid  }
0x8b: {  	s0 =	sand.u32 $0x1, s1  }
0x8c: {  	s17 =	sshll.u32 s0, $0xA;
	s2 =	sadd.s32 s3, s2  }
0x8d: {  	s2 =	sadd.s32 s2, s17  }
0x8e: {  	[smem:$0x3FC2] =	sst s2  }
0x8f: {  	_ = 	snop  }
0x90: {  	s2 =	sld [smem:$0x3FD0];
	(tm) =	ssettm $0x1  }
0x91: {  	s18 =	sld [smem:$0x3FFB];
	_ =	sdelay $0x3  }
0x92: {  	_ =	strace s18  }
0x93: {  	s3 =	sld [smem:$0x3FFC];
	_ =	sdelay $0x3  }
0x94: {  	_ =	strace s3  }
0x95: {  	s3 =	sld [smem:$0x3FFD];
	_ =	sdelay $0x3  }
0x96: {  	_ =	strace s3  }
0x97: {  	_ =	strace $0x8FFFFFFF  }
0x98: {  	s19 =	sld [smem:$0x3FDB];
	_ =	sdelay $0x1  }
0x99: {  	s4 =	simm.s32 $_scs_section_size  }
0x9a: {  	s5 =	simm.s32 $_size__tile_overlayer_lowered;
	s6 =	simm.s32 $_tile_overlayer_lowered  }
0x9b: {  	s22 =	simm.s32 $0x1BFF;
	s21 =	sshll.u32 s6, $0x1;
	s3 =	sadd.s32 s4, s19  }
0x9c: {  	s7 =	simm.s32 $0x0;
	s20 =	sshll.u32 s5, $0x1;
	s5 =	sadd.s32 s21, s3  }
0x9d: {  	[timem:s7], [sflag:s22] =	dma.local [hbm:s5], s20  }
0x9e: {  	_ =	swait.ge [sflag:s22], s20  }
0x9f: {  	s4 =	ssub.s32 $0x0, s20;
	[sflag:s22] =	ssyncset.done $0x0  }
0xa0: {  	[sflag:s22] =	ssyncadd.s32 s4;
	_ =	sdelay $0x1  }
0xa1: {  	s23 =	simm.s32 $0x1B8B  }
0xa2: {  	_ =	swait.ge [sflag:s23], $0x1  }
0xa3: {  	[sflag:s23] =	ssyncset.done $0x0  }
0xa4: {  	s25 =	simm.s32 $0x1B8E;
	s24 =	sld [smem:$0x3FFE];
	[sflag:s23] =	ssyncadd.s32 $0xFFFFFFFF  }
0xa5: {  	s26 =	simm.s32 $execute0_lowered;
	[smem:$0x3FD2] =	sst s25  }
0xa6: {  	s5 =	sshll.u32 s26, $0x1;
	_ =	strace $0x8000004C;
	[dreg:$0x1] =	wrdreg $0xFFFFFFFF  }
0xa7: {  	s28 =	simm.s32 $_size_execute0_lowered;
	s3 =	sadd.s32 s3, s5;
	[dreg:$0x0] =	wrdreg $0x0  }
0xa8: {  	s5 =	sshll.u32 s28, $0x1;
	[dreg:$0x2] =	wrdreg s3  }
0xa9: {  	[dreg:$0x3] =	wrdreg s5  }
0xaa: {  	[dreg:$0x4] =	wrdreg $0xC0  }
0xab: {  	_ =	task [dreg:s7], $0x5FFFF  }
0xac: {  	[dreg:$0x1] =	wrdreg $0xFFFFFFFF  }
0xad: {  	[dreg:$0x0] =	wrdreg $0x60  }
0xae: {  	[dreg:$0x2] =	wrdreg s24  }
0xaf: {  	[dreg:$0x3] =	wrdreg s2  }
0xb0: {  	[dreg:$0x4] =	wrdreg $0xA0000  }
0xb1: {  	[dreg:$0x5] =	wrdreg $0x9  }
0xb2: {  	_ =	task.clear_ibuf [dreg:s7], $0x6FFFF;
	_ =	strace $0x9000004C  }
0xb3: {  	s29 =	simm.s32 $0x9;
	_ =	strace $0x8000004E  }
0xb4: {  	_ =	swait.ge [sflag:s29], $0x1  }
0xb5: {  	[sflag:s29] =	ssyncadd.s32 $0xFFFFFFFF  }
0xb6: {  	_ =	strace $0x9000004E  }
0xb7: {  	_ =	sfence  }
0xb8: {  	s30 =	sld [smem:$0x0];
	_ =	sdelay $0x2  }
0xb9: {  	s31 =	sshll.u32 s1, $0xD;
	s1 =	sshrl.u32 s1, $0x2  }
0xba: {  	s3 =	sand.u32 $0x4000, s31;
	s1 =	sadd.s32 s1, s30  }
0xbb: {  	s0 =	sor.u32 s3, s0;
	s1 =	sshll.u32 s1, $0x11  }
0xbc: {  	s0 =	sor.u32 s1, s0  }
0xbd: {  	s0 =	sadd.s32 $0x8F2B, s0  }
0xbe: {  	[sflag:s0] =	ssyncadd.remote.s32 $0x1  }
0xbf: {  	_ =	sfence.sel $0xFFFF  }
0xc0: {  	[dreg:$0x0] =	wrdreg $0xFFFFFFFF;
	(pc) =	sbr.abs _section_cstart, $3  }
0xc1: {  	[dreg:$0x1] =	wrdreg $0xFFFFFFFF  }
0xc2: {  	_ =	task.clear_ibuf [dreg:s7], $0x2FFFF;
	_ =	strace $0x9FFFFFFF  }
0xc3: {  	(tm) =	ssettm $0x7FFFFFFF  }
tec
execute0_lowered:
.L_overlay_start_1:
0x0: {  	(tag) =	ssettag $0x1  }
0x1: {  	s7 =	rddreg [dreg:$0x0]  }
0x2: {  	s1 =	rddreg [dreg:$0x1]  }
0x3: {  	s2 =	rddreg [dreg:$0x2];
	s3 =	srdreg.scid  }
0x4: {  	s4 =	simm.s32 $0x0;
	s16 =	simm.s32 $0x3;
	s17 =	simm.s32 $0x5  }
0x5: {  	s18 =	simm.s32 $0x1000;
	s19 =	simm.s32 $0x80;
	s20 =	simm.s32 $0x1  }
0x6: {  	s21 =	simm.s32 $0x6000;
	s22 =	simm.s32 $0x2;
	s23 =	simm.s32 $0x4  }
0x7: {  	s25 =	simm.s32 $0x1F00;
	s24 =	sand.u32 $0x1, s3;
	s3 =	stileid.u32  }
0x8: {  	s26 =	simm.s32 $0x1F80;
	[smem:$0x7FF] =	sst s4;
	s8 =	smul.u32 $0x140000, s24  }
0x9: {  	s5 =	sadd.s32 $0x20400, s7;
	s6 =	sadd.s32 $0x16400, s7;
	s9 =	smul.u32 $0x14000, s3  }
0xa: {  	_ =	strace $0x8000004D;
	s10 =	smul.u32 $0x50000, s3;
	s30 =	ssub.s32 $0x2, s24  }
0xb: {  	s31 =	sshll.u32 s3, $0xC;
	p0 =	seq.s32 s24, $0x0;
	s11 =	sshrl.u32 s30, $0x1  }
0xc: {  	s15 =	sshll.u32 s3, $0xE;
	s8 =	sadd.s32 s9, s8;
	s14 =	ssub.s32 s30, s11  }
0xd: {  	s10 =	sshrl.u32 s10, $0x2;
	s8 =	sshrl.u32 s8, $0x3;
	s14 =	smax.u32 s14, $0x1  }
0xe: {  	s13 =	sadd.s32 s8, s7;
	s7 =	sadd.s32 s10, s2;
	s10 =	sor.u32 $0x40000, s31  }
0xf: {  	s8 =	sadd.s32 $0x4000, s7;
	s9 =	sadd.s32 $0x8000, s7;
	s11 =	sadd.s32 $0xC000, s7  }
0x10: {  	s12 =	sadd.s32 $0x10000, s7;
	s10 =	smov.u32 @p0 s15;
	s13 =	sadd.s32 $0x48400, s13  }
0x11: {  	v0 =	vimm.f32 $0.0e+00;
	s15 =	simm.s32 $0x2000;
	p0 =	sne.s32 s24, $0x0;
	s24 =	simm.s32 $0xF80  }
.LBB2_1:
0x12: {  	s28 =	simm.s32 $0x0;
	s29 =	simm.s32 $0x200  }
.LBB2_2:
0x13: {  	p1 =	sne.s32 s29, $0xFE00;
	[tilespmem:s28+$0x2070] =	vst v0  }
0x14: {  	[tilespmem:s28+$0x2000] =	vst v0  }
0x15: {  	[tilespmem:s28+$0x2010] =	vst v0  }
.Ltmp0:
0x16: {  	[tilespmem:s28+$0x2020] =	vst v0;
	(pc) =	sbr.rel @p1 .LBB2_2-.Ltmp0, $4  }
0x17: {  	[tilespmem:s28+$0x2030] =	vst v0  }
0x18: {  	[tilespmem:s28+$0x2040] =	vst v0  }
0x19: {  	[tilespmem:s28+$0x2050] =	vst v0  }
0x1a: {  	[tilespmem:s28+$0x2060] =	vst v0;
	s28 =	sshra.s32 s29, $0x2;
	s29 =	sadd.s32 $0x200, s29  }
0x1b: {  	[tilespmem:s28+$0x2070] =	vst v0  }
0x1c: {  	[tilespmem:s28+$0x2000] =	vst v0  }
0x1d: {  	[tilespmem:s28+$0x2010] =	vst v0  }
0x1e: {  	[tilespmem:s28+$0x2020] =	vst v0  }
0x1f: {  	[tilespmem:s28+$0x2030] =	vst v0  }
0x20: {  	[tilespmem:s28+$0x2040] =	vst v0  }
0x21: {  	[tilespmem:s28+$0x2050] =	vst v0  }
0x22: {  	[tilespmem:s28+$0x2060] =	vst v0  }
0x23: {  	[spmem:s7] =	stream.linear.scatter [tilespmem:s15], [sflag:$0x3], $0x4000, $0x38;
	[tilespmem:$0x1E000] =	vst v63  }
0x24: {  	_ = 	snop  }
0x25: {  	[spmem:s8] =	stream.linear.scatter [tilespmem:s15], [sflag:$0x3], $0x4000, $0x38;
	[tilespmem:$0x1E000] =	vst v63  }
0x26: {  	_ = 	snop  }
0x27: {  	[spmem:s9] =	stream.linear.scatter [tilespmem:s15], [sflag:$0x3], $0x4000, $0x38;
	[tilespmem:$0x1E000] =	vst v63  }
0x28: {  	_ = 	snop  }
0x29: {  	[spmem:s11] =	stream.linear.scatter [tilespmem:s15], [sflag:$0x3], $0x4000, $0x38;
	[tilespmem:$0x1E000] =	vst v63  }
0x2a: {  	_ = 	snop  }
0x2b: {  	[spmem:s12] =	stream.linear.scatter [tilespmem:s15], [sflag:$0x3], $0x4000, $0x38;
	[tilespmem:$0x1E000] =	vst v63  }
0x2c: {  	_ =	swait.ge [sflag:s16], $0x4000  }
0x2d: {  	[sflag:s16] =	ssyncset.done $0x0  }
0x2e: {  	[sflag:s16] =	ssyncadd.s32 $0xFFFFC000  }
0x2f: {  	_ =	swait.ge [sflag:s16], $0x4000  }
0x30: {  	[sflag:s16] =	ssyncset.done $0x0  }
0x31: {  	[sflag:s16] =	ssyncadd.s32 $0xFFFFC000  }
0x32: {  	_ =	swait.ge [sflag:s16], $0x4000  }
0x33: {  	[sflag:s16] =	ssyncset.done $0x0  }
0x34: {  	[sflag:s16] =	ssyncadd.s32 $0xFFFFC000  }
0x35: {  	_ =	swait.ge [sflag:s16], $0x4000  }
0x36: {  	[sflag:s16] =	ssyncset.done $0x0  }
0x37: {  	[sflag:s16] =	ssyncadd.s32 $0xFFFFC000  }
0x38: {  	_ =	swait.ge [sflag:s16], $0x4000  }
0x39: {  	[sflag:s16] =	ssyncset.done $0x0  }
0x3a: {  	[sflag:s16] =	ssyncadd.s32 $0xFFFFC000  }
0x3b: {  	s28 =	simm.s32 $0x0;
	s29 =	simm.s32 $0x0;
	[bflag:$0x0] =	sbarrier.arrive $0xFFFF  }
.LBB2_4:
0x3c: {  	s30 =	sshll.u32 s29, $0xC  }
0x3d: {  	s30 =	sadd.s32 s10, s30  }
0x3e: {  	s30 =	sshrl.u32 s30, $0x3  }
0x3f: {  	s31 =	sadd.s32 s6, s30  }
0x40: {  	[tilespmem:s28], [sflag:$0x5] =	stream.linear.gather [hbm4b:s31+s28], $0x1000, $0x38;
	[tilespmem:$0x1E000] =	vst v63  }
0x41: {  	_ =	swait.ge [sflag:s17], $0x1000  }
0x42: {  	[sflag:s17] =	ssyncset.done $0x0  }
0x43: {  	s30 =	sadd.s32 s1, s30;
	[sflag:s17] =	ssyncadd.s32 $0xFFFFF000  }
0x44: {  	[tilespmem:s18], [sflag:$0x5] =	stream.linear.gather [hbm4b:s30+s28], $0x1000, $0x38;
	[tilespmem:$0x1E000] =	vst v63  }
0x45: {  	_ =	swait.ge [sflag:s17], $0x1000  }
0x46: {  	[sflag:s17] =	ssyncset.done $0x0  }
0x47: {  	[sflag:s17] =	ssyncadd.s32 $0xFFFFF000  }
0x48: {  	[tilespmem:s15], [sflag:$0x1] =	stream.indirect.gather [hbm4b:s5+s19], $0x80, s28, s19, $0xb8;
	[tilespmem:$0x1E000] =	vst v63  }
0x49: {  	_ =	swait.ge [sflag:s20], $0x4000  }
0x4a: {  	[sflag:s20] =	ssyncset.done $0x0  }
0x4b: {  	s30 =	simm.s32 $0x80;
	[sflag:s20] =	ssyncadd.s32 $0xFFFFC000  }
0x4c: {  	[tilespmem:s21], [sflag:$0x2] =	stream.indirect.gather [hbm4b:s5+s19], $0x80, s30, s19, $0xb8;
	[tilespmem:$0x1E000] =	vst v63  }
0x4d: {  	s30 =	simm.s32 $0x1000  }
0x4e: {  	[spmem:s2] =	stream.indirect.scatter.add.f32 [tilespmem:s15], [sflag:$0x3], $0x80, s30, s19, $0xb8;
	[tilespmem:$0x1E000] =	vst v63  }
0x4f: {  	_ =	swait.ge [sflag:s22], $0x4000  }
0x50: {  	[sflag:s22] =	ssyncset.done $0x0  }
0x51: {  	[sflag:s22] =	ssyncadd.s32 $0xFFFFC000  }
0x52: {  	_ =	swait.ge [sflag:s16], $0x4000  }
0x53: {  	[sflag:s16] =	ssyncset.done $0x0  }
0x54: {  	s30 =	simm.s32 $0x100;
	[sflag:s16] =	ssyncadd.s32 $0xFFFFC000  }
0x55: {  	[tilespmem:s15], [sflag:$0x1] =	stream.indirect.gather [hbm4b:s5+s19], $0x80, s30, s19, $0xb8;
	[tilespmem:$0x1E000] =	vst v63  }
0x56: {  	s30 =	simm.s32 $0x1080  }
0x57: {  	[spmem:s2] =	stream.indirect.scatter.add.f32 [tilespmem:s21], [sflag:$0x4], $0x80, s30, s19, $0xb8;
	[tilespmem:$0x1E000] =	vst v63  }
0x58: {  	_ =	swait.ge [sflag:s23], $0x4000  }
0x59: {  	s30 =	simm.s32 $0x400;
	[sflag:s23] =	ssyncset.done $0x0  }
.LBB2_5:
0x5a: {  	p1 =	sne.s32 s30, $0x3800  }
0x5b: {  	[sflag:s23] =	ssyncadd.s32 $0xFFFFC000;
	s31 =	smov.u32 s30;
	s30 =	sadd.s32 $0x400, s30  }
0x5c: {  	_ = 	snop  }
0x5d: {  	_ =	swait.ge [sflag:s20], $0x4000  }
0x5e: {  	s31 =	sshra.s32 s31, $0x2;
	[sflag:s20] =	ssyncset.done $0x0  }
0x5f: {  	s0 =	sadd.s32 $0x80, s31;
	[sflag:s20] =	ssyncadd.s32 $0xFFFFC000  }
0x60: {  	[tilespmem:s21], [sflag:$0x2] =	stream.indirect.gather [hbm4b:s5+s19], $0x80, s0, s19, $0xb8;
	[tilespmem:$0x1E000] =	vst v63  }
0x61: {  	s0 =	sadd.s32 $0x1000, s31  }
0x62: {  	[spmem:s2] =	stream.indirect.scatter.add.f32 [tilespmem:s15], [sflag:$0x3], $0x80, s0, s19, $0xb8;
	[tilespmem:$0x1E000] =	vst v63  }
0x63: {  	_ =	swait.ge [sflag:s22], $0x4000  }
0x64: {  	[sflag:s22] =	ssyncset.done $0x0  }
0x65: {  	[sflag:s22] =	ssyncadd.s32 $0xFFFFC000  }
0x66: {  	_ =	swait.ge [sflag:s16], $0x4000  }
0x67: {  	[sflag:s16] =	ssyncset.done $0x0  }
0x68: {  	s0 =	sadd.s32 $0x100, s31;
	[sflag:s16] =	ssyncadd.s32 $0xFFFFC000  }
0x69: {  	[tilespmem:s15], [sflag:$0x1] =	stream.indirect.gather [hbm4b:s5+s19], $0x80, s0, s19, $0xb8;
	[tilespmem:$0x1E000] =	vst v63  }
.Ltmp1:
0x6a: {  	_ = 	snop;
	(pc) =	sbr.rel @p1 .LBB2_5-.Ltmp1, $4  }
0x6b: {  	s0 =	sadd.s32 $0x1080, s31  }
0x6c: {  	[spmem:s2] =	stream.indirect.scatter.add.f32 [tilespmem:s21], [sflag:$0x4], $0x80, s0, s19, $0xb8;
	[tilespmem:$0x1E000] =	vst v63  }
0x6d: {  	_ =	swait.ge [sflag:s23], $0x4000  }
0x6e: {  	[sflag:s23] =	ssyncset.done $0x0  }
0x6f: {  	[sflag:s23] =	ssyncadd.s32 $0xFFFFC000  }
0x70: {  	_ =	swait.ge [sflag:s20], $0x4000  }
0x71: {  	[sflag:s20] =	ssyncset.done $0x0  }
0x72: {  	[sflag:s20] =	ssyncadd.s32 $0xFFFFC000  }
0x73: {  	[tilespmem:s21], [sflag:$0x2] =	stream.indirect.gather [hbm4b:s5+s19], $0x80, s24, s19, $0xb8;
	[tilespmem:$0x1E000] =	vst v63  }
0x74: {  	_ = 	snop  }
0x75: {  	[spmem:s2] =	stream.indirect.scatter.add.f32 [tilespmem:s15], [sflag:$0x3], $0x80, s25, s19, $0xb8;
	[tilespmem:$0x1E000] =	vst v63  }
0x76: {  	_ =	swait.ge [sflag:s22], $0x4000  }
0x77: {  	[sflag:s22] =	ssyncset.done $0x0  }
0x78: {  	[sflag:s22] =	ssyncadd.s32 $0xFFFFC000  }
0x79: {  	p1 =	slt.u32 @!p0 s29, $0x3;
	_ =	swait.ge [sflag:s16], $0x4000  }
0x7a: {  	p1 =	por p0, !p1;
	[sflag:s16] =	ssyncset.done $0x0  }
.Ltmp2:
0x7b: {  	[sflag:s16] =	ssyncadd.s32 $0xFFFFC000;
	(pc) =	sbr.rel @!p1 .LBB2_4-.Ltmp2, $4  }
0x7c: {  	[spmem:s2] =	stream.indirect.scatter.add.f32 [tilespmem:s21], [sflag:$0x4], $0x80, s26, s19, $0xb8;
	[tilespmem:$0x1E000] =	vst v63  }
0x7d: {  	_ =	swait.ge [sflag:s23], $0x4000  }
0x7e: {  	[sflag:s23] =	ssyncset.done $0x0  }
0x7f: {  	s29 =	sadd.s32 $0x1, s29;
	[sflag:s23] =	ssyncadd.s32 $0xFFFFC000  }
0x80: {  	s4 =	sadd.s32 $0x1, s4  }
0x81: {  	s0 =	sshll.u32 s3, $0x6;
	[bflag:$0x0] =	sbarrier.arrive $0xFFFF;
	p1 =	sne.s32 s4, s14  }
.Ltmp3:
0x82: {  	s28 =	sshrl.u32 s7, $0x3;
	s0 =	sor.u32 $0x1C05, s0;
	(pc) =	sbr.rel @p1 .LBB2_1-.Ltmp3, $4  }
0x83: {  	[hbm:s13], [sflag:s0] =	dma.local [spmem:s28], $0x2800  }
0x84: {  	_ =	swait.ge [sflag:s17], $0x2800  }
0x85: {  	[sflag:s17] =	ssyncset.done $0x0  }
0x86: {  	[sflag:s17] =	ssyncadd.s32 $0xFFFFD800  }
0x87: {  	_ =	sfence.sel $0x180000  }
0x88: {  	[bflag:$0x0] =	sbarrier.arrive $0xFFFF  }
0x89: {  	_ =	strace $0x9000004D  }
0x8a: {  	[bflag:$0x2] =	sbarrier.arrive $0xFFFF  }
0x8b: {  	p0 =	sne.s32 s3, $0x0;
	s0 =	rddreg [dreg:$0x3]  }
0x8c: {  	s0 =	sadd.s32 @!p0 $0x100000, s0  }
0x8d: {  	[sflag:s0] =	ssyncadd.tile.s32 @!p0 $0x1;
	_ =	shalt  }
.Lfunc_end2:
_tile_overlayer_lowered:
.L_overlay_start_2:
0x8e: {  	(tag) =	ssettag $0x2  }
0x8f: {  	s0 =	rddreg [dreg:$0x0];
	s2 =	stileid.u32  }
0x90: {  	s1 =	rddreg [dreg:$0x1];
	p0 =	sne.s32 s2, $0x0  }
0x91: {  	s3 =	rddreg [dreg:$0x2];
	[bflag:$0x3] =	sbarrier.arrive $0xFFFF;
	s2 =	simm.s32 @!p0 $0x1C05  }
0x92: {  	[timem:s3], [sflag:s2] =	dma.local @!p0 [hbm:s0], s1  }
0x93: {  	s0 =	simm.s32 @!p0 $0x5  }
0x94: {  	_ =	swait.ge @!p0 [sflag:s0], s1  }
0x95: {  	s1 =	ssub.s32 @!p0 $0x0, s1;
	[sflag:s0] =	ssyncset.done @!p0 $0x0  }
0x96: {  	[sflag:s0] =	ssyncadd.s32 @!p0 s1  }
0x97: {  	[bflag:$0x3] =	sbarrier.arrive $0xFFFF  }
0x98: {  	_ =	shalt  }

// kernel: kernel.8.cloned.1.call-start
scs
__scs_entry_jumppad:
0x0: {  	(pc) =	sbr.rel $0x88, $3  }
0x1: {  	(tag) =	ssettag $0x0;
	lr =	simm.s32 $0x1  }
0x2: {  	[smem:$0x3F9B] =	sst lr;
	_ =	strace $0xD0000000  }
0x3: {  	_ = 	snop  }
0x4: {  	_ = 	snop  }
0x5: {  	_ = 	snop  }
0x6: {  	_ = 	snop  }
0x7: {  	_ = 	snop  }
__scs_overlays_trampoline_lowered:
0x8: {  	[smem:$0x3FAA] =	sst s0  }
0x9: {  	[smem:$0x3FAB] =	sst s1  }
0xa: {  	[smem:$0x3FAC] =	sst s2  }
0xb: {  	[smem:$0x3FAD] =	sst s3  }
0xc: {  	[smem:$0x3FAE] =	sst s4  }
0xd: {  	[smem:$0x3FAF] =	sst s5  }
0xe: {  	[smem:$0x3FB0] =	sst s6  }
0xf: {  	[smem:$0x3FB1] =	sst s7  }
0x10: {  	[smem:$0x3FB2] =	sst s8  }
0x11: {  	[smem:$0x3FB3] =	sst s9;
	s0 =	simm.s32 @!p0 $0x0  }
0x12: {  	s1 =	sld [smem:$0x3F99];
	s0 =	simm.s32 @p0 $0x1  }
0x13: {  	[smem:$0x3FB4] =	sst s0;
	s0 =	simm.s32 @!p1 $0x0  }
0x14: {  	s2 =	sld [smem:$0x3F98];
	s0 =	simm.s32 @p1 $0x1  }
0x15: {  	[smem:$0x3FB5] =	sst s0;
	s0 =	simm.s32 @!p2 $0x0  }
0x16: {  	s3 =	sld [smem:$0x3FDB];
	s0 =	simm.s32 @p2 $0x1  }
0x17: {  	s4 =	simm.s32 $0x1BF5;
	[smem:$0x3FB7] =	sst s0  }
0x18: {  	s0 =	sld [smem:$0x3F9A];
	_ =	swait.ge [sflag:s4], $0x0  }
0x19: {  	s7 =	sld [smem:$0x3F9B]  }
0x1a: {  	s8 =	sadd.s32 $0xFFFFE003, lr  }
0x1b: {  	s9 =	sadd.s32 $0xFFFFFEF7, lr;
	s5 =	simm.s32 $0xFFFFFFFF;
	p2 =	slt.u32 s8, $0xFFFFF086  }
0x1c: {  	p1 =	slt.u32 s9, $0xF7A;
	s5 =	simm.s32 @!p2 $0x0  }
0x1d: {  	s5 =	simm.s32 @p1 $0x1;
	p0 =	seq.s32 s7, s2  }
0x1e: {  	s7 =	smul.u32 @!p0 $0xF7A, s2;
	p2 =	seq.s32 @!p0 s5, $0x0  }
0x1f: {  	s9 =	smul.u32 $0xF7A, s1;
	s8 =	simm.s32 @!p0 $0x1BF5;
	p2 =	por !p2, p0  }
0x20: {  	[sflag:s8] =	ssyncset.s32 @!p0 $0xFFFFF086;
	s6 =	sadd.s32 @!p0 s3, s7;
	s7 =	simm.s32 @!p0 $0x108  }
0x21: {  	s3 =	sadd.s32 s3, s9;
	s6 =	sadd.s32 @!p0 $0x88, s6;
	s7 =	simm.s32 @p2 $0x1082  }
0x22: {  	[simem:s7], [sflag:s8] =	dma.local @!p0 [hbm:s6], $0xF7A  }
0x23: {  	s9 =	sor.u32 $0xD0000000, s2;
	s6 =	simm.s32 $0x108;
	_ =	swait.ge @!p0 [sflag:s8], $0x0  }
0x24: {  	s3 =	sadd.s32 $0x88, s3;
	s6 =	simm.s32 @!p1 $0x1082;
	[sflag:s4] =	ssyncset.s32 $0xFFFFF086  }
0x25: {  	[simem:s6], [sflag:s4] =	dma.local [hbm:s3], $0xF7A  }
0x26: {  	[smem:$0x3F9B] =	sst s1;
	(tag) =	ssettag s2;
	_ =	strace s9  }
0x27: {  	s1 =	sld [smem:$0x3FAB]  }
0x28: {  	s2 =	sld [smem:$0x3FAC]  }
0x29: {  	s4 =	sld [smem:$0x3FAE]  }
0x2a: {  	p0 =	seq.s32 s5, $0x0;
	s5 =	sld [smem:$0x3FAF]  }
0x2b: {  	s6 =	sld [smem:$0x3FB0]  }
0x2c: {  	s7 =	sld [smem:$0x3FB1]  }
0x2d: {  	s3 =	simm.s32 $0x108;
	s8 =	sld [smem:$0x3FB2]  }
0x2e: {  	s3 =	simm.s32 @!p0 $0x1082;
	s9 =	sld [smem:$0x3FB3]  }
0x2f: {  	lr =	sadd.s32 s0, s3;
	s0 =	sld [smem:$0x3FAA]  }
0x30: {  	s3 =	sld [smem:$0x3FAD]  }
0x31: {  	[smem:$0x3FB6] =	sst s10  }
0x32: {  	s10 =	sld [smem:$0x3FB4];
	_ =	sdelay $0x3  }
0x33: {  	p0 =	seq.s32 s10, $0x1;
	s10 =	sld [smem:$0x3FB6];
	_ =	sdelay $0x3  }
0x34: {  	[smem:$0x3FB6] =	sst s10  }
0x35: {  	s10 =	sld [smem:$0x3FB5];
	_ =	sdelay $0x3  }
0x36: {  	p1 =	seq.s32 s10, $0x1;
	s10 =	sld [smem:$0x3FB6];
	_ =	sdelay $0x3  }
0x37: {  	[smem:$0x3FB6] =	sst s10  }
0x38: {  	s10 =	sld [smem:$0x3FB7]  }
0x39: {  	_ = 	snop;
	(pc) =	sbr.ind lr, $3  }
0x3a: {  	_ = 	snop  }
0x3b: {  	_ = 	snop  }
0x3c: {  	p2 =	seq.s32 s10, $0x1;
	s10 =	sld [smem:$0x3FB6]  }
0x3d: {  	_ =	shalt  }
0x3e: {  	_ =	shalt  }
0x3f: {  	_ =	shalt  }
0x40: {  	_ =	shalt  }
0x41: {  	_ =	shalt  }
0x42: {  	_ =	shalt  }
0x43: {  	_ =	shalt  }
0x44: {  	_ =	shalt  }
0x45: {  	_ =	shalt  }
0x46: {  	_ =	shalt  }
0x47: {  	_ =	shalt  }
0x48: {  	_ =	shalt  }
0x49: {  	_ =	shalt  }
0x4a: {  	_ =	shalt  }
0x4b: {  	_ =	shalt  }
0x4c: {  	_ =	shalt  }
0x4d: {  	_ =	shalt  }
0x4e: {  	_ =	shalt  }
0x4f: {  	_ =	shalt  }
0x50: {  	_ =	shalt  }
0x51: {  	_ =	shalt  }
0x52: {  	_ =	shalt  }
0x53: {  	_ =	shalt  }
0x54: {  	_ =	shalt  }
0x55: {  	_ =	shalt  }
0x56: {  	_ =	shalt  }
0x57: {  	_ =	shalt  }
0x58: {  	_ =	shalt  }
0x59: {  	_ =	shalt  }
0x5a: {  	_ =	shalt  }
0x5b: {  	_ =	shalt  }
0x5c: {  	_ =	shalt  }
0x5d: {  	_ =	shalt  }
0x5e: {  	_ =	shalt  }
0x5f: {  	_ =	shalt  }
0x60: {  	_ =	shalt  }
0x61: {  	_ =	shalt  }
0x62: {  	_ =	shalt  }
0x63: {  	_ =	shalt  }
0x64: {  	_ =	shalt  }
0x65: {  	_ =	shalt  }
0x66: {  	_ =	shalt  }
0x67: {  	_ =	shalt  }
0x68: {  	_ =	shalt  }
0x69: {  	_ =	shalt  }
0x6a: {  	_ =	shalt  }
0x6b: {  	_ =	shalt  }
0x6c: {  	_ =	shalt  }
0x6d: {  	_ =	shalt  }
0x6e: {  	_ =	shalt  }
0x6f: {  	_ =	shalt  }
0x70: {  	_ =	shalt  }
0x71: {  	_ =	shalt  }
0x72: {  	_ =	shalt  }
0x73: {  	_ =	shalt  }
0x74: {  	_ =	shalt  }
0x75: {  	_ =	shalt  }
0x76: {  	_ =	shalt  }
0x77: {  	_ =	shalt  }
0x78: {  	_ =	shalt  }
0x79: {  	_ =	shalt  }
0x7a: {  	_ =	shalt  }
0x7b: {  	_ =	shalt  }
0x7c: {  	_ =	shalt  }
0x7d: {  	_ =	shalt  }
0x7e: {  	_ =	shalt  }
0x7f: {  	_ =	shalt  }
0x80: {  	_ =	shalt  }
0x81: {  	_ =	shalt  }
0x82: {  	_ =	shalt  }
0x83: {  	_ =	shalt  }
0x84: {  	_ =	shalt  }
0x85: {  	_ =	shalt  }
0x86: {  	_ =	shalt  }
0x87: {  	_ =	shalt  }
.Lfunc_end0:
.L_simem_size_0:
called_computation_lowered:
.L_overlay_start_0:
0x88: {  	s2 =	sld [smem:$0x3FD9]  }
0x89: {  	s3 =	sld [smem:$0x3FFE];
	_ =	sdelay $0x1  }
0x8a: {  	s1 =	srdreg.scid  }
0x8b: {  	s0 =	sand.u32 $0x1, s1  }
0x8c: {  	s16 =	sshll.u32 s0, $0xA;
	s2 =	sadd.s32 s3, s2  }
0x8d: {  	s2 =	sadd.s32 s2, s16  }
0x8e: {  	[smem:$0x3FC2] =	sst s2  }
0x8f: {  	_ = 	snop  }
0x90: {  	(tm) =	ssettm $0x1  }
0x91: {  	s17 =	sld [smem:$0x3FFB];
	_ =	sdelay $0x3  }
0x92: {  	_ =	strace s17  }
0x93: {  	s2 =	sld [smem:$0x3FFC];
	_ =	sdelay $0x3  }
0x94: {  	_ =	strace s2  }
0x95: {  	s2 =	sld [smem:$0x3FFD];
	_ =	sdelay $0x3  }
0x96: {  	_ =	strace s2  }
0x97: {  	_ =	strace $0x8FFFFFFF  }
0x98: {  	s18 =	sld [smem:$0x3FDB];
	_ =	sdelay $0x1  }
0x99: {  	s19 =	simm.s32 $_scs_section_size  }
0x9a: {  	s4 =	simm.s32 $_size__tile_overlayer_lowered;
	s5 =	simm.s32 $_tile_overlayer_lowered  }
0x9b: {  	s22 =	simm.s32 $0x1BFF;
	s21 =	sshll.u32 s5, $0x1;
	s2 =	sadd.s32 s19, s18  }
0x9c: {  	s6 =	simm.s32 $0x0;
	s20 =	sshll.u32 s4, $0x1;
	s4 =	sadd.s32 s21, s2  }
0x9d: {  	[timem:s6], [sflag:s22] =	dma.local [hbm:s4], s20  }
0x9e: {  	_ =	swait.ge [sflag:s22], s20  }
0x9f: {  	s3 =	ssub.s32 $0x0, s20;
	[sflag:s22] =	ssyncset.done $0x0  }
0xa0: {  	[sflag:s22] =	ssyncadd.s32 s3;
	_ =	sdelay $0x1  }
0xa1: {  	s23 =	simm.s32 $0x1B8B  }
0xa2: {  	_ =	swait.ge [sflag:s23], $0x1  }
0xa3: {  	[sflag:s23] =	ssyncset.done $0x0  }
0xa4: {  	s25 =	simm.s32 $0x1B8E;
	s24 =	sld [smem:$0x3FFE];
	[sflag:s23] =	ssyncadd.s32 $0xFFFFFFFF  }
0xa5: {  	s26 =	simm.s32 $execute0_lowered;
	[smem:$0x3FD2] =	sst s25  }
0xa6: {  	s4 =	sshll.u32 s26, $0x1;
	_ =	strace $0x80000046;
	[dreg:$0x1] =	wrdreg $0xFFFFFFFF  }
0xa7: {  	s28 =	simm.s32 $_size_execute0_lowered;
	s2 =	sadd.s32 s2, s4;
	[dreg:$0x0] =	wrdreg $0x0  }
0xa8: {  	s4 =	sshll.u32 s28, $0x1;
	[dreg:$0x2] =	wrdreg s2  }
0xa9: {  	[dreg:$0x3] =	wrdreg s4  }
0xaa: {  	[dreg:$0x4] =	wrdreg $0xC0  }
0xab: {  	_ =	task [dreg:s6], $0x5FFFF  }
0xac: {  	[dreg:$0x1] =	wrdreg $0xFFFFFFFF  }
0xad: {  	[dreg:$0x0] =	wrdreg $0x60  }
0xae: {  	[dreg:$0x2] =	wrdreg s24  }
0xaf: {  	[dreg:$0x3] =	wrdreg $0x9  }
0xb0: {  	_ =	task.clear_ibuf [dreg:s6], $0x4FFFF;
	_ =	strace $0x90000046  }
0xb1: {  	s29 =	simm.s32 $0x9;
	_ =	strace $0x80000048  }
0xb2: {  	_ =	swait.ge [sflag:s29], $0x1  }
0xb3: {  	[sflag:s29] =	ssyncadd.s32 $0xFFFFFFFF  }
0xb4: {  	_ =	strace $0x90000048  }
0xb5: {  	_ =	sfence  }
0xb6: {  	s30 =	sld [smem:$0x0];
	_ =	sdelay $0x2  }
0xb7: {  	s31 =	sshll.u32 s1, $0xD;
	s1 =	sshrl.u32 s1, $0x2  }
0xb8: {  	s3 =	sand.u32 $0x4000, s31;
	s1 =	sadd.s32 s1, s30  }
0xb9: {  	s0 =	sor.u32 s3, s0;
	s1 =	sshll.u32 s1, $0x11  }
0xba: {  	s0 =	sor.u32 s1, s0  }
0xbb: {  	s0 =	sadd.s32 $0x8F2B, s0  }
0xbc: {  	[sflag:s0] =	ssyncadd.remote.s32 $0x1  }
0xbd: {  	_ =	sfence.sel $0xFFFF  }
0xbe: {  	[dreg:$0x0] =	wrdreg $0xFFFFFFFF;
	(pc) =	sbr.abs _section_cstart, $3  }
0xbf: {  	[dreg:$0x1] =	wrdreg $0xFFFFFFFF  }
0xc0: {  	_ =	task.clear_ibuf [dreg:s6], $0x2FFFF;
	_ =	strace $0x9FFFFFFF  }
0xc1: {  	(tm) =	ssettm $0x7FFFFFFF  }
tec
execute0_lowered:
.L_overlay_start_1:
0x0: {  	(tag) =	ssettag $0x1  }
0x1: {  	s1 =	srdreg.scid  }
0x2: {  	s0 =	stileid.u32;
	s5 =	rddreg [dreg:$0x0]  }
0x3: {  	s2 =	simm.s32 $0x0;
	s8 =	simm.s32 $0x80;
	s9 =	simm.s32 $0x400  }
0x4: {  	s10 =	simm.s32 $0x0;
	s3 =	sand.u32 $0x1, s1;
	s29 =	sshll.u32 s0, $0x1  }
0x5: {  	s30 =	sshrl.u32 s0, $0x2;
	s1 =	rddreg [dreg:$0x1];
	s4 =	sor.u32 s3, s29  }
0x6: {  	[smem:$0x7FF] =	sst s2;
	s6 =	smul.u32 $0x14000, s30;
	s7 =	sshll.u32 s4, $0x7  }
0x7: {  	s3 =	ssub.s32 $0x2, s3;
	s4 =	smul.u32 $0x500, s4;
	s7 =	sand.u32 $0x380, s7  }
0x8: {  	_ =	strace $0x80000047;
	s31 =	sshrl.u32 s3, $0x1;
	s6 =	sor.u32 s6, s7  }
0x9: {  	s4 =	sadd.s32 s4, s5;
	s7 =	simm.s32 $0x2800;
	s6 =	sshrl.u32 s6, $0x3  }
0xa: {  	s5 =	sadd.s32 s6, s5;
	s6 =	ssub.s32 s3, s31;
	s3 =	sadd.s32 $0x2400, s4  }
0xb: {  	v0 =	vimm.f32 $0.0e+00;
	v1 =	vimm.f32 $1.000000000e+00;
	s4 =	sadd.s32 $0xC400, s5;
	s5 =	smax.u32 s6, $0x1;
	s6 =	simm.s32 $0x1  }
.LBB2_1:
0xc: {  	[tilespmem:s2], [sflag:$0x1] =	stream.linear.gather [hbm4b:s3+s2], $0x2800, $0x38;
	[tilespmem:$0x5000] =	vst v63  }
0xd: {  	_ =	swait.ge [sflag:s6], $0x2800  }
0xe: {  	[sflag:s6] =	ssyncset.done $0x0  }
0xf: {  	s11 =	simm.s32 $0x0;
	[sflag:s6] =	ssyncadd.s32 $0xFFFFD800  }
.LBB2_2:
0x10: {  	p0 =	sne.s32 s11, $0x9FC0  }
.Ltmp0:
0x11: {  	_ = 	snop;
	(pc) =	sbr.rel @p0 .LBB2_2-.Ltmp0, $3  }
0x12: {  	_ =	sdelay $0x1  }
0x13: {  	s12 =	sshra.s32 s11, $0x2  }
0x14: {  	s11 =	sadd.s32 $0x40, s11;
	[tilespmem:s12+$0x2800] =	vst v0  }
0x15: {  	s12 =	simm.s32 $0x0;
	s11 =	simm.s32 $0x40  }
.LBB2_4:
0x16: {  	p0 =	sne.s32 s11, $0x9FC0;
	v2 =	vld [tilespmem:s12+$0x0];
	_ =	sdelay $0x3  }
.Ltmp1:
0x17: {  	(pc) =	sbr.rel @p0 .LBB2_4-.Ltmp1, $2  }
0x18: {  	_ =	sdelay $0x2  }
0x19: {  	s12 =	sshra.s32 s11, $0x2;
	s11 =	sadd.s32 $0x40, s11;
	[tilespmem:v2+s7+$0x0] =	vst.idx.add.f32.msk $0xffff, v1  }
0x1a: {  	v2 =	vld [tilespmem:s12+$0x0];
	_ =	sdelay $0x5  }
0x1b: {  	s10 =	sadd.s32 $0x1, s10  }
0x1c: {  	p0 =	sne.s32 s10, s5  }
.Ltmp2:
0x1d: {  	[tilespmem:v2+s7+$0x0] =	vst.idx.add.f32.msk $0xffff, v1;
	(pc) =	sbr.rel @p0 .LBB2_1-.Ltmp2, $4  }
0x1e: {  	[hbm4b:s4+s8] =	stream.strided.scatter [tilespmem:s7], [sflag:$0x1], $0x2800, s9, s8, $0x38;
	[tilespmem:$0x5000] =	vst v63  }
0x1f: {  	_ =	swait.ge [sflag:s6], $0x2800  }
0x20: {  	[sflag:s6] =	ssyncset.done $0x0  }
0x21: {  	[sflag:s6] =	ssyncadd.s32 $0xFFFFD800  }
0x22: {  	_ =	sfence.sel $0x180000  }
0x23: {  	[bflag:$0x0] =	sbarrier.arrive $0xFFFF  }
0x24: {  	p0 =	sne.s32 s0, $0x0;
	_ =	strace $0x90000047  }
0x25: {  	s0 =	sadd.s32 @!p0 $0x100000, s1;
	[bflag:$0x2] =	sbarrier.arrive $0xFFFF  }
0x26: {  	[sflag:s0] =	ssyncadd.tile.s32 @!p0 $0x1;
	_ =	shalt  }
.Lfunc_end2:
_tile_overlayer_lowered:
.L_overlay_start_2:
0x27: {  	(tag) =	ssettag $0x2  }
0x28: {  	s0 =	rddreg [dreg:$0x0];
	s2 =	stileid.u32  }
0x29: {  	s1 =	rddreg [dreg:$0x1];
	p0 =	sne.s32 s2, $0x0  }
0x2a: {  	s3 =	rddreg [dreg:$0x2];
	[bflag:$0x3] =	sbarrier.arrive $0xFFFF;
	s2 =	simm.s32 @!p0 $0x1C01  }
0x2b: {  	[timem:s3], [sflag:s2] =	dma.local @!p0 [hbm:s0], s1  }
0x2c: {  	s0 =	simm.s32 @!p0 $0x1  }
0x2d: {  	_ =	swait.ge @!p0 [sflag:s0], s1  }
0x2e: {  	s1 =	ssub.s32 @!p0 $0x0, s1;
	[sflag:s0] =	ssyncset.done @!p0 $0x0  }
0x2f: {  	[sflag:s0] =	ssyncadd.s32 @!p0 s1  }
0x30: {  	[bflag:$0x3] =	sbarrier.arrive $0xFFFF  }
0x31: {  	_ =	shalt  }

</sc_bundles>
